<compile_context>
chip_gen: v7x
topology: tpu7x:2x2x1
jax: 0.10.2.dev20260603
libtpu: 0.0.44.dev20260713+nightly
codegen_flags: <defaults>
</compile_context>

<pallas_src>
import functools

import jax
import jax.numpy as jnp
from jax import lax
from jax.experimental import pallas as pl
from jax.experimental.pallas import tpu as pltpu
from jax.experimental.pallas import tpu_sc as plsc

_N = 32768
_C = 768
_K = _N // 2
_CW = 32
_NSTRIP = _C // _CW
_RW = 512
_NWIN = _N // _RW
_NBIN = 1024
_CAP = 512
_HSTRIDE = _NBIN + 1
_BC = 128
_RB = 256

_INFO = plsc.get_sparse_core_info()
_NC = _INFO.num_cores



def _sc_body(x_hbm, cand_hbm, cb_hbm, bincnt_hbm,
             buf0, buf1, hist, cand, medbin, cbv, bcv, sem0, sem1):
    wid = lax.axis_index("s") * _NC + lax.axis_index("c")
    lane = lax.iota(jnp.int32, 16)
    zero16 = jnp.zeros((16,), jnp.int32)
    one16 = jnp.ones((16,), jnp.int32)
    posinf = jnp.full((16,), jnp.inf, jnp.float32)

    @pl.when(wid < _NSTRIP)
    def _():
        c0 = wid * _CW

        def src_at(w):
            return x_hbm.at[pl.ds(w * _RW, _RW), pl.ds(c0, _CW)]

        def stream(process, init):
            pltpu.make_async_copy(src_at(0), buf0, sem0).start()

            def pair(i, carry):
                w = 2 * i

                @pl.when(w + 1 < _NWIN)
                def _():
                    pltpu.make_async_copy(src_at(w + 1), buf1, sem1).start()
                pltpu.make_async_copy(src_at(w), buf0, sem0).wait()
                carry = process(buf0, carry)

                @pl.when(w + 2 < _NWIN)
                def _():
                    pltpu.make_async_copy(src_at(w + 2), buf0, sem0).start()
                pltpu.make_async_copy(src_at(w + 1), buf1, sem1).wait()
                return process(buf1, carry)

            return lax.fori_loop(0, _NWIN // 2, pair, init)

        def zhist(i, _):
            hist[pl.ds(i * 16, 16)] = zero16
            return 0
        lax.fori_loop(0, _CW * _HSTRIDE // 16 + 1, zhist, 0)

        def zcand(i, _):
            for h in range(_CW // 16):
                cand[i, pl.ds(h * 16, 16)] = posinf
            return 0
        lax.fori_loop(0, _CAP, zcand, 0)

        def key_bin(v):
            i = lax.bitcast_convert_type(v, jnp.int32)
            flip = lax.shift_right_arithmetic(i, 31) | jnp.int32(-2147483648)
            ub = i ^ flip
            return lax.shift_right_logical(ub, 22)

        def hist_win(buf, carry):
            @plsc.parallel_loop(0, _RW, 1, unroll=16)
            def _(r):
                for h in range(_CW // 16):
                    v = buf[r, pl.ds(h * 16, 16)]
                    b = key_bin(v)
                    plsc.addupdate_scatter(
                        hist, [b + (lane + 16 * h) * _HSTRIDE], one16)
            return carry
        stream(hist_win, jnp.int32(0))

        for g in range(_CW // 16):
            colv = lane + 16 * g
            base = colv * _HSTRIDE

            def it(b, carry):
                run, nb, cb, bcnt = carry
                v = plsc.load_gather(hist, [base + b])
                newrun = run + v
                below = newrun <= _K
                bcnt = jnp.where((run <= _K) & (~below), v, bcnt)
                nb = nb + below.astype(jnp.int32)
                cb = jnp.where(below, newrun, cb)
                return (newrun, nb, cb, bcnt)

            run, nb, cb, bcnt = lax.fori_loop(
                0, _NBIN, it, (zero16, zero16, zero16, zero16))
            plsc.store_scatter(medbin, [colv], nb)
            plsc.store_scatter(cbv, [colv], cb)
            plsc.store_scatter(bcv, [colv], bcnt)

        mb = [plsc.load_gather(medbin, [lane + 16 * h])
              for h in range(_CW // 16)]

        def compact_win(buf, cnts):
            def row(r, cnts):
                new = []
                for h in range(_CW // 16):
                    cnt = cnts[h]
                    v = buf[r, pl.ds(h * 16, 16)]
                    b = key_bin(v)
                    match = b == mb[h]
                    ok = match & (cnt < _CAP)
                    plsc.store_scatter(cand, [cnt, lane + 16 * h], v, mask=ok)
                    new.append(cnt + match.astype(jnp.int32))
                return tuple(new)
            return plsc.parallel_loop(0, _RW, 1, unroll=8, carry=cnts)(row)
        stream(compact_win, (zero16,) * (_CW // 16))

        pltpu.sync_copy(cand, cand_hbm.at[pl.ds(0, _CAP), pl.ds(c0, _CW)])
        pltpu.sync_copy(cbv, cb_hbm.at[pl.ds(c0, _CW)])
        pltpu.sync_copy(bcv, bincnt_hbm.at[pl.ds(c0, _CW)])


_sc_select = functools.partial(
    pl.kernel,
    out_type=(
        jax.ShapeDtypeStruct((_CAP, _C), jnp.float32),
        jax.ShapeDtypeStruct((_C,), jnp.int32),
        jax.ShapeDtypeStruct((_C,), jnp.int32),
    ),
    mesh=plsc.VectorSubcoreMesh(core_axis_name="c", subcore_axis_name="s"),
    compiler_params=pltpu.CompilerParams(use_tc_tiling_on_sc=False,
                                        needs_layout_passes=False),
    scratch_types=[
        pltpu.VMEM((_RW, _CW), jnp.float32),
        pltpu.VMEM((_RW, _CW), jnp.float32),
        pltpu.VMEM((_CW * _HSTRIDE + 16,), jnp.int32),
        pltpu.VMEM((_CAP, _CW), jnp.float32),
        pltpu.VMEM((_CW,), jnp.int32),
        pltpu.VMEM((_CW,), jnp.int32),
        pltpu.VMEM((_CW,), jnp.int32),
        pltpu.SemaphoreType.DMA,
        pltpu.SemaphoreType.DMA,
    ],
)(_sc_body)



def _key_to_float(k):
    i = k ^ (lax.shift_right_arithmetic(k, 31) & jnp.int32(0x7FFFFFFF))
    return lax.bitcast_convert_type(i, jnp.float32)


def _bisect(count_fn, kvec, n_iters=32):
    def outer(b, pk):
        q = pk + jnp.left_shift(jnp.int32(1), 31 - b)
        cnt = count_fn(_key_to_float(q))
        return jnp.where(cnt <= kvec, q, pk)

    pk0 = jnp.full(kvec.shape, jnp.iinfo(jnp.int32).min, jnp.int32)
    pk = lax.fori_loop(0, n_iters, outer, pk0)
    return _key_to_float(pk)


def _select_body(cand_ref, cb_ref, med_ref, nt_ref, newmed_ref):
    def count(qf):
        def inner(r, acc8):
            chunk = cand_ref[pl.ds(r * _RB, _RB), :]
            m = (chunk < qf).astype(jnp.int32)
            return acc8 + jnp.sum(m.reshape(_RB // 8, 8, _C), axis=0)

        acc8 = lax.fori_loop(0, _CAP // _RB, inner,
                             jnp.zeros((8, _C), jnp.int32))
        return jnp.sum(acc8, axis=0, keepdims=True)

    kvec = _K - cb_ref[...]
    med = _bisect(count, kvec)
    nt = nt_ref[0, 0]
    newmed_ref[...] = (med_ref[...] * nt + med) / (nt + 1.0)


def _median_body(x_ref, med_ref, nt_ref, newmed_ref):
    def count(qf):
        def inner(r, acc8):
            chunk = x_ref[pl.ds(r * _RB, _RB), :]
            m = (chunk < qf).astype(jnp.int32)
            return acc8 + jnp.sum(m.reshape(_RB // 8, 8, _BC), axis=0)

        acc8 = lax.fori_loop(0, _N // _RB, inner,
                             jnp.zeros((8, _BC), jnp.int32))
        return jnp.sum(acc8, axis=0, keepdims=True)

    kvec = jnp.full((1, _BC), _K, jnp.int32)
    med = _bisect(count, kvec)
    nt = nt_ref[0, 0]
    newmed_ref[...] = (med_ref[...] * nt + med) / (nt + 1.0)


def _sub_body(x_ref, newmed_ref, o_ref):
    o_ref[...] = x_ref[...] - newmed_ref[...]


def _tc_select(cand, cb, median, nt):
    return pl.pallas_call(
        _select_body,
        in_specs=[
            pl.BlockSpec((_CAP, _C), lambda: (0, 0)),
            pl.BlockSpec((1, _C), lambda: (0, 0)),
            pl.BlockSpec((1, _C), lambda: (0, 0)),
            pl.BlockSpec((1, 1), lambda: (0, 0), memory_space=pltpu.SMEM),
        ],
        out_specs=pl.BlockSpec((1, _C), lambda: (0, 0)),
        out_shape=jax.ShapeDtypeStruct((1, _C), jnp.float32),
    )(cand, cb, median, nt)


def _tc_full_median(x, median, nt):
    return pl.pallas_call(
        _median_body,
        grid=(_C // _BC,),
        in_specs=[
            pl.BlockSpec((_N, _BC), lambda j: (0, j)),
            pl.BlockSpec((1, _BC), lambda j: (0, j)),
            pl.BlockSpec((1, 1), lambda j: (0, 0), memory_space=pltpu.SMEM),
        ],
        out_specs=pl.BlockSpec((1, _BC), lambda j: (0, j)),
        out_shape=jax.ShapeDtypeStruct((1, _C), jnp.float32),
        compiler_params=pltpu.CompilerParams(
            dimension_semantics=("arbitrary",),
        ),
    )(x, median, nt)


def _tc_subtract(x, new_med):
    return pl.pallas_call(
        _sub_body,
        grid=(16,),
        in_specs=[
            pl.BlockSpec((_N // 16, _C), lambda i: (i, 0)),
            pl.BlockSpec((1, _C), lambda i: (0, 0)),
        ],
        out_specs=pl.BlockSpec((_N // 16, _C), lambda i: (i, 0)),
        out_shape=jax.ShapeDtypeStruct((_N, _C), jnp.float32),
        compiler_params=pltpu.CompilerParams(
            dimension_semantics=("arbitrary",),
        ),
    )(x, new_med)


@jax.jit
def _mean_shift(x, median, nt):
    cand, cb, bincnt = _sc_select(x)
    overflow = jnp.max(bincnt) > _CAP
    new_med = lax.cond(
        overflow,
        lambda ops: _tc_full_median(*ops[:1], *ops[2:]),
        lambda ops: _tc_select(ops[1][0], ops[1][1], *ops[2:]),
        (x, (cand, cb.reshape(1, _C)), median, nt),
    )
    return _tc_subtract(x, new_med)


def kernel(x, median, num_track):
    nt = num_track.astype(jnp.float32).reshape(1, 1)
    return _mean_shift(x, median, nt)

# --- scband reference (transcript-rebuilt; emitter-appended) ---
"""Pipeline reference for scband-mean-shift-17231408792271 (READ-ONLY COPY).

The authoritative reference and input builder live on the scoring server;
editing this copy changes nothing except your own understanding.
"""

import jax, jax.numpy as jnp
import numpy as np


def setup_inputs(seed: int = 0) -> dict:
    key = jax.random.key(seed)
    k1, = jax.random.split(key, 1)
    x = jax.random.normal(k1, (32768, 768), dtype=jnp.float32)
    median = jnp.zeros((1, 768), dtype=jnp.float32)
    num_track = jnp.zeros((1,), dtype=jnp.int64)
    return {"x": x, "median": median, "num_track": num_track}


def reference(x, median, num_track):
    # training-path forward of MeanShift:
    # median of batch via full sort along dim 0, running-median buffer update,
    # then subtract the (detached) updated median from x.
    med = jnp.sort(x, axis=0)[x.shape[0] // 2].reshape(1, -1)
    nt = num_track.astype(x.dtype)
    new_median = (median * nt + med) / (nt + 1.0)
    new_median = jax.lax.stop_gradient(new_median)
    return x - new_median

if __name__ == "__main__":
    import jax
    _d = setup_inputs()
    print(jax.jit(kernel)(*tuple(_d.values())))

</pallas_src>

<mosaic_0001>
#map = affine_map<(d0, d1) -> (0, 0)>
#map1 = affine_map<(d0, d1) -> (0)>
module attributes {stable_mosaic.version = 14 : i64} {
  func.func @_sc_body(%arg0: i32, %arg1: i32, %arg2: memref<32768x768xf32, #tpu.memory_space<hbm>>, %arg3: memref<512x768xf32, #tpu.memory_space<hbm>>, %arg4: memref<768xi32, #tpu.memory_space<hbm>>, %arg5: memref<768xi32, #tpu.memory_space<hbm>>, %arg6: memref<512x32xf32, #tpu.memory_space<vmem>>, %arg7: memref<512x32xf32, #tpu.memory_space<vmem>>, %arg8: memref<32816xi32, #tpu.memory_space<vmem>>, %arg9: memref<512x32xf32, #tpu.memory_space<vmem>>, %arg10: memref<32xi32, #tpu.memory_space<vmem>>, %arg11: memref<32xi32, #tpu.memory_space<vmem>>, %arg12: memref<32xi32, #tpu.memory_space<vmem>>, %arg13: memref<!tpu.dma_semaphore, #tpu.memory_space<semaphore_mem>>, %arg14: memref<!tpu.dma_semaphore, #tpu.memory_space<semaphore_mem>>) attributes {dimension_semantics = [#tpu.dimension_semantics<core_parallel>, #tpu.dimension_semantics<subcore_parallel>], iteration_bounds = array<i64: 2, 16>, scalar_prefetch = 0 : i64, scratch_operands = 9 : i64, tpu.core_type = #tpu.core_type<sc_vector_subcore>, window_params = [{transform_indices = #map}, {transform_indices = #map}, {transform_indices = #map1}, {transform_indices = #map1}]} {
    %mul3A = arith.constant 2 : i32
    %mul3A_0 = arith.muli %arg1, %mul3A : i32
    %add3A = arith.addi %mul3A_0, %arg0 : i32
    %iota3A = tpu.iota {dimensions = array<i32: 0>} : vector<16xi32>
    %broadcast_in_dim3A = arith.constant 0 : i32
    %broadcast_in_dim3A_1 = vector.broadcast %broadcast_in_dim3A : i32 to vector<16xi32>
    %broadcast_in_dim3A_2 = arith.constant 1 : i32
    %broadcast_in_dim3A_3 = vector.broadcast %broadcast_in_dim3A_2 : i32 to vector<16xi32>
    %broadcast_in_dim3A_4 = arith.constant 0x7F800000 : f32
    %broadcast_in_dim3A_5 = vector.broadcast %broadcast_in_dim3A_4 : f32 to vector<16xf32>
    %lt3A = arith.constant 24 : i32
    %lt3A_6 = arith.cmpi slt, %add3A, %lt3A : i32
    %convert_element_type3A = arith.extui %lt3A_6 : i1 to i32
    %cond3A = arith.constant 0 : i32
    %cond3A_7 = arith.cmpi ne, %convert_element_type3A, %cond3A : i32
    scf.if %cond3A_7 {
      %mul3A_8 = arith.constant 32 : i32
      %mul3A_9 = arith.muli %add3A, %mul3A_8 : i32
      %scan3A = arith.constant 0 : i32
      %scan3A_10 = arith.constant 0 : i32
      %scan3A_11 = arith.constant 2051 : i32
      %scan3A_12 = arith.addi %scan3A_10, %scan3A_11 : i32
      %scan3A_13 = arith.constant 1 : i32
      %scan3A_14 = scf.for %scan3A_73 = %scan3A_10 to %scan3A_12 step %scan3A_13 iter_args(%scan3A_74 = %scan3A) -> (i32)  : i32 {
        %mul3A_75 = arith.constant 16 : i32
        %mul3A_76 = arith.muli %scan3A_73, %mul3A_75 : i32
        %swap3A = arith.index_cast %mul3A_76 : i32 to index
        %swap3A_77 = tpu.vector_load %arg8[%swap3A] {strides = array<i32>} : memref<32816xi32, #tpu.memory_space<vmem>>, vector<16xi32>,
        tpu.vector_store %arg8[%swap3A], %broadcast_in_dim3A_1 {strides = array<i32>} : memref<32816xi32, #tpu.memory_space<vmem>>, vector<16xi32>,
        %scan3A_78 = arith.constant 0 : i32
        scf.yield %scan3A_78 : i32
      }
      %scan3A_15 = arith.constant 2051 : i32
      %scan3A_16 = arith.constant 0 : i32
      %scan3A_17 = arith.constant 0 : i32
      %scan3A_18 = arith.constant 512 : i32
      %scan3A_19 = arith.addi %scan3A_17, %scan3A_18 : i32
      %scan3A_20 = arith.constant 1 : i32
      %scan3A_21 = scf.for %scan3A_73 = %scan3A_17 to %scan3A_19 step %scan3A_20 iter_args(%scan3A_74 = %scan3A_16) -> (i32)  : i32 {
        %swap3A = arith.index_cast %scan3A_73 : i32 to index
        %swap3A_75 = arith.constant 0 : index
        %swap3A_76 = tpu.vector_load %arg9[%swap3A, %swap3A_75] {strides = array<i32>} : memref<512x32xf32, #tpu.memory_space<vmem>>, vector<16xf32>,
        tpu.vector_store %arg9[%swap3A, %swap3A_75], %broadcast_in_dim3A_5 {strides = array<i32>} : memref<512x32xf32, #tpu.memory_space<vmem>>, vector<16xf32>,
        %swap3A_77 = arith.index_cast %scan3A_73 : i32 to index
        %swap3A_78 = arith.constant 16 : index
        %swap3A_79 = tpu.vector_load %arg9[%swap3A_77, %swap3A_78] {strides = array<i32>} : memref<512x32xf32, #tpu.memory_space<vmem>>, vector<16xf32>,
        tpu.vector_store %arg9[%swap3A_77, %swap3A_78], %broadcast_in_dim3A_5 {strides = array<i32>} : memref<512x32xf32, #tpu.memory_space<vmem>>, vector<16xf32>,
        %scan3A_80 = arith.constant 0 : i32
        scf.yield %scan3A_80 : i32
      }
      %scan3A_22 = arith.constant 512 : i32
      %dma_start3A = arith.constant 0 : i32
      %dma_start3A_23 = tpu.memref_slice %arg2[%dma_start3A, %mul3A_9] : memref<32768x768xf32, #tpu.memory_space<hbm>> -> memref<512x32xf32, #tpu.memory_space<hbm>>
      %dma_start3A_24 = arith.constant 0 : i32
      %dma_start3A_25 = tpu.memref_slice %arg2[%dma_start3A_24, %mul3A_9] : memref<32768x768xf32, #tpu.memory_space<hbm>> -> memref<512x32xf32, #tpu.memory_space<hbm>>
      tpu.enqueue_dma source(%dma_start3A_25 : memref<512x32xf32, #tpu.memory_space<hbm>>) target(%arg6 : memref<512x32xf32, #tpu.memory_space<vmem>>) target_semaphore(%arg13 : memref<!tpu.dma_semaphore, #tpu.memory_space<semaphore_mem>>)
      %scan3A_26 = arith.constant 0 : i32
      %scan3A_27 = arith.constant 0 : i32
      %scan3A_28 = arith.constant 32 : i32
      %scan3A_29 = arith.addi %scan3A_27, %scan3A_28 : i32
      %scan3A_30 = arith.constant 1 : i32
      scf.for %scan3A_73 = %scan3A_27 to %scan3A_29 step %scan3A_30  : i32 {
        %mul3A_74 = arith.constant 2 : i32
        %mul3A_75 = arith.muli %mul3A_74, %scan3A_73 : i32
        %add3A_76 = arith.constant 1 : i32
        %add3A_77 = arith.addi %mul3A_75, %add3A_76 : i32
        %lt3A_78 = arith.constant 64 : i32
        %lt3A_79 = arith.cmpi slt, %add3A_77, %lt3A_78 : i32
        %convert_element_type3A_80 = arith.extui %lt3A_79 : i1 to i32
        %cond3A_81 = arith.constant 0 : i32
        %cond3A_82 = arith.cmpi ne, %convert_element_type3A_80, %cond3A_81 : i32
        scf.if %cond3A_82 {
          %add3A_104 = arith.constant 1 : i32
          %add3A_105 = arith.addi %mul3A_75, %add3A_104 : i32
          %mul3A_106 = arith.constant 512 : i32
          %mul3A_107 = arith.muli %add3A_105, %mul3A_106 : i32
          %dma_start3A_108 = tpu.memref_slice %arg2[%mul3A_107, %mul3A_9] : memref<32768x768xf32, #tpu.memory_space<hbm>> -> memref<512x32xf32, #tpu.memory_space<hbm>>
          %dma_start3A_109 = tpu.memref_slice %arg2[%mul3A_107, %mul3A_9] : memref<32768x768xf32, #tpu.memory_space<hbm>> -> memref<512x32xf32, #tpu.memory_space<hbm>>
          tpu.enqueue_dma source(%dma_start3A_109 : memref<512x32xf32, #tpu.memory_space<hbm>>) target(%arg7 : memref<512x32xf32, #tpu.memory_space<vmem>>) target_semaphore(%arg14 : memref<!tpu.dma_semaphore, #tpu.memory_space<semaphore_mem>>)
        } else {
        }
        %mul3A_83 = arith.constant 512 : i32
        %mul3A_84 = arith.muli %mul3A_75, %mul3A_83 : i32
        %dma_wait3A = tpu.memref_slice %arg2[%mul3A_84, %mul3A_9] : memref<32768x768xf32, #tpu.memory_space<hbm>> -> memref<512x32xf32, #tpu.memory_space<hbm>>
        %dma_wait3A_85 = tpu.memref_slice %arg2[%mul3A_84, %mul3A_9] : memref<32768x768xf32, #tpu.memory_space<hbm>> -> memref<512x32xf32, #tpu.memory_space<hbm>>
        tpu.wait_dma2 semaphore(%arg13 : memref<!tpu.dma_semaphore, #tpu.memory_space<semaphore_mem>>) src(%dma_wait3A_85 : memref<512x32xf32, #tpu.memory_space<hbm>>) dst(%arg6 : memref<512x32xf32, #tpu.memory_space<vmem>>)
        %parallel_loop3A = arith.constant 0 : i32
        %parallel_loop3A_86 = arith.constant 512 : i32
        %parallel_loop3A_87 = arith.constant 1 : i32
        scf.for %parallel_loop3A_104 = %parallel_loop3A to %parallel_loop3A_86 step %parallel_loop3A_87  : i32 {
          %parallel_loop3A_105 = arith.index_cast %parallel_loop3A_104 : i32 to index
          %parallel_loop3A_106 = arith.constant 0 : index
          %parallel_loop3A_107 = tpu.vector_load %arg6[%parallel_loop3A_105, %parallel_loop3A_106] {strides = array<i32>} : memref<512x32xf32, #tpu.memory_space<vmem>>, vector<16xf32>,
          %parallel_loop3A_108 = tpu.bitcast %parallel_loop3A_107 : vector<16xf32> -> vector<16xi32>
          %parallel_loop3A_109 = arith.constant 31 : i32
          %parallel_loop3A_110 = vector.broadcast %parallel_loop3A_109 : i32 to vector<16xi32>
          %parallel_loop3A_111 = arith.shrsi %parallel_loop3A_108, %parallel_loop3A_110 : vector<16xi32>
          %parallel_loop3A_112 = arith.constant -2147483648 : i32
          %parallel_loop3A_113 = vector.broadcast %parallel_loop3A_112 : i32 to vector<16xi32>
          %parallel_loop3A_114 = arith.ori %parallel_loop3A_111, %parallel_loop3A_113 : vector<16xi32>
          %parallel_loop3A_115 = arith.xori %parallel_loop3A_108, %parallel_loop3A_114 : vector<16xi32>
          %parallel_loop3A_116 = arith.constant 22 : i32
          %parallel_loop3A_117 = vector.broadcast %parallel_loop3A_116 : i32 to vector<16xi32>
          %parallel_loop3A_118 = arith.shrui %parallel_loop3A_115, %parallel_loop3A_117 : vector<16xi32>
          %parallel_loop3A_119 = arith.constant 0 : i32
          %parallel_loop3A_120 = vector.broadcast %parallel_loop3A_119 : i32 to vector<16xi32>
          %parallel_loop3A_121 = arith.addi %iota3A, %parallel_loop3A_120 : vector<16xi32>
          %parallel_loop3A_122 = arith.constant 1025 : i32
          %parallel_loop3A_123 = vector.broadcast %parallel_loop3A_122 : i32 to vector<16xi32>
          %parallel_loop3A_124 = arith.muli %parallel_loop3A_121, %parallel_loop3A_123 : vector<16xi32>
          %parallel_loop3A_125 = arith.addi %parallel_loop3A_118, %parallel_loop3A_124 : vector<16xi32>
          tpu.vector_store_idx %arg8[%parallel_loop3A_125], %broadcast_in_dim3A_3 {add = true} : memref<32816xi32, #tpu.memory_space<vmem>>[vector<16xi32>], vector<16xi32>,
          %parallel_loop3A_126 = arith.index_cast %parallel_loop3A_104 : i32 to index
          %parallel_loop3A_127 = arith.constant 16 : index
          %parallel_loop3A_128 = tpu.vector_load %arg6[%parallel_loop3A_126, %parallel_loop3A_127] {strides = array<i32>} : memref<512x32xf32, #tpu.memory_space<vmem>>, vector<16xf32>,
          %parallel_loop3A_129 = tpu.bitcast %parallel_loop3A_128 : vector<16xf32> -> vector<16xi32>
          %parallel_loop3A_130 = arith.constant 31 : i32
          %parallel_loop3A_131 = vector.broadcast %parallel_loop3A_130 : i32 to vector<16xi32>
          %parallel_loop3A_132 = arith.shrsi %parallel_loop3A_129, %parallel_loop3A_131 : vector<16xi32>
          %parallel_loop3A_133 = arith.constant -2147483648 : i32
          %parallel_loop3A_134 = vector.broadcast %parallel_loop3A_133 : i32 to vector<16xi32>
          %parallel_loop3A_135 = arith.ori %parallel_loop3A_132, %parallel_loop3A_134 : vector<16xi32>
          %parallel_loop3A_136 = arith.xori %parallel_loop3A_129, %parallel_loop3A_135 : vector<16xi32>
          %parallel_loop3A_137 = arith.constant 22 : i32
          %parallel_loop3A_138 = vector.broadcast %parallel_loop3A_137 : i32 to vector<16xi32>
          %parallel_loop3A_139 = arith.shrui %parallel_loop3A_136, %parallel_loop3A_138 : vector<16xi32>
          %parallel_loop3A_140 = arith.constant 16 : i32
          %parallel_loop3A_141 = vector.broadcast %parallel_loop3A_140 : i32 to vector<16xi32>
          %parallel_loop3A_142 = arith.addi %iota3A, %parallel_loop3A_141 : vector<16xi32>
          %parallel_loop3A_143 = arith.constant 1025 : i32
          %parallel_loop3A_144 = vector.broadcast %parallel_loop3A_143 : i32 to vector<16xi32>
          %parallel_loop3A_145 = arith.muli %parallel_loop3A_142, %parallel_loop3A_144 : vector<16xi32>
          %parallel_loop3A_146 = arith.addi %parallel_loop3A_139, %parallel_loop3A_145 : vector<16xi32>
          tpu.vector_store_idx %arg8[%parallel_loop3A_146], %broadcast_in_dim3A_3 {add = true} : memref<32816xi32, #tpu.memory_space<vmem>>[vector<16xi32>], vector<16xi32>,
        } {sc.loop_unroll_factor = 16 : i64, sc.parallel_access}
        %add3A_88 = arith.constant 2 : i32
        %add3A_89 = arith.addi %mul3A_75, %add3A_88 : i32
        %lt3A_90 = arith.constant 64 : i32
        %lt3A_91 = arith.cmpi slt, %add3A_89, %lt3A_90 : i32
        %convert_element_type3A_92 = arith.extui %lt3A_91 : i1 to i32
        %cond3A_93 = arith.constant 0 : i32
        %cond3A_94 = arith.cmpi ne, %convert_element_type3A_92, %cond3A_93 : i32
        scf.if %cond3A_94 {
          %add3A_104 = arith.constant 2 : i32
          %add3A_105 = arith.addi %mul3A_75, %add3A_104 : i32
          %mul3A_106 = arith.constant 512 : i32
          %mul3A_107 = arith.muli %add3A_105, %mul3A_106 : i32
          %dma_start3A_108 = tpu.memref_slice %arg2[%mul3A_107, %mul3A_9] : memref<32768x768xf32, #tpu.memory_space<hbm>> -> memref<512x32xf32, #tpu.memory_space<hbm>>
          %dma_start3A_109 = tpu.memref_slice %arg2[%mul3A_107, %mul3A_9] : memref<32768x768xf32, #tpu.memory_space<hbm>> -> memref<512x32xf32, #tpu.memory_space<hbm>>
          tpu.enqueue_dma source(%dma_start3A_109 : memref<512x32xf32, #tpu.memory_space<hbm>>) target(%arg6 : memref<512x32xf32, #tpu.memory_space<vmem>>) target_semaphore(%arg13 : memref<!tpu.dma_semaphore, #tpu.memory_space<semaphore_mem>>)
        } else {
        }
        %add3A_95 = arith.constant 1 : i32
        %add3A_96 = arith.addi %mul3A_75, %add3A_95 : i32
        %mul3A_97 = arith.constant 512 : i32
        %mul3A_98 = arith.muli %add3A_96, %mul3A_97 : i32
        %dma_wait3A_99 = tpu.memref_slice %arg2[%mul3A_98, %mul3A_9] : memref<32768x768xf32, #tpu.memory_space<hbm>> -> memref<512x32xf32, #tpu.memory_space<hbm>>
        %dma_wait3A_100 = tpu.memref_slice %arg2[%mul3A_98, %mul3A_9] : memref<32768x768xf32, #tpu.memory_space<hbm>> -> memref<512x32xf32, #tpu.memory_space<hbm>>
        tpu.wait_dma2 semaphore(%arg14 : memref<!tpu.dma_semaphore, #tpu.memory_space<semaphore_mem>>) src(%dma_wait3A_100 : memref<512x32xf32, #tpu.memory_space<hbm>>) dst(%arg7 : memref<512x32xf32, #tpu.memory_space<vmem>>)
        %parallel_loop3A_101 = arith.constant 0 : i32
        %parallel_loop3A_102 = arith.constant 512 : i32
        %parallel_loop3A_103 = arith.constant 1 : i32
        scf.for %parallel_loop3A_104 = %parallel_loop3A_101 to %parallel_loop3A_102 step %parallel_loop3A_103  : i32 {
          %parallel_loop3A_105 = arith.index_cast %parallel_loop3A_104 : i32 to index
          %parallel_loop3A_106 = arith.constant 0 : index
          %parallel_loop3A_107 = tpu.vector_load %arg7[%parallel_loop3A_105, %parallel_loop3A_106] {strides = array<i32>} : memref<512x32xf32, #tpu.memory_space<vmem>>, vector<16xf32>,
          %parallel_loop3A_108 = tpu.bitcast %parallel_loop3A_107 : vector<16xf32> -> vector<16xi32>
          %parallel_loop3A_109 = arith.constant 31 : i32
          %parallel_loop3A_110 = vector.broadcast %parallel_loop3A_109 : i32 to vector<16xi32>
          %parallel_loop3A_111 = arith.shrsi %parallel_loop3A_108, %parallel_loop3A_110 : vector<16xi32>
          %parallel_loop3A_112 = arith.constant -2147483648 : i32
          %parallel_loop3A_113 = vector.broadcast %parallel_loop3A_112 : i32 to vector<16xi32>
          %parallel_loop3A_114 = arith.ori %parallel_loop3A_111, %parallel_loop3A_113 : vector<16xi32>
          %parallel_loop3A_115 = arith.xori %parallel_loop3A_108, %parallel_loop3A_114 : vector<16xi32>
          %parallel_loop3A_116 = arith.constant 22 : i32
          %parallel_loop3A_117 = vector.broadcast %parallel_loop3A_116 : i32 to vector<16xi32>
          %parallel_loop3A_118 = arith.shrui %parallel_loop3A_115, %parallel_loop3A_117 : vector<16xi32>
          %parallel_loop3A_119 = arith.constant 0 : i32
          %parallel_loop3A_120 = vector.broadcast %parallel_loop3A_119 : i32 to vector<16xi32>
          %parallel_loop3A_121 = arith.addi %iota3A, %parallel_loop3A_120 : vector<16xi32>
          %parallel_loop3A_122 = arith.constant 1025 : i32
          %parallel_loop3A_123 = vector.broadcast %parallel_loop3A_122 : i32 to vector<16xi32>
          %parallel_loop3A_124 = arith.muli %parallel_loop3A_121, %parallel_loop3A_123 : vector<16xi32>
          %parallel_loop3A_125 = arith.addi %parallel_loop3A_118, %parallel_loop3A_124 : vector<16xi32>
          tpu.vector_store_idx %arg8[%parallel_loop3A_125], %broadcast_in_dim3A_3 {add = true} : memref<32816xi32, #tpu.memory_space<vmem>>[vector<16xi32>], vector<16xi32>,
          %parallel_loop3A_126 = arith.index_cast %parallel_loop3A_104 : i32 to index
          %parallel_loop3A_127 = arith.constant 16 : index
          %parallel_loop3A_128 = tpu.vector_load %arg7[%parallel_loop3A_126, %parallel_loop3A_127] {strides = array<i32>} : memref<512x32xf32, #tpu.memory_space<vmem>>, vector<16xf32>,
          %parallel_loop3A_129 = tpu.bitcast %parallel_loop3A_128 : vector<16xf32> -> vector<16xi32>
          %parallel_loop3A_130 = arith.constant 31 : i32
          %parallel_loop3A_131 = vector.broadcast %parallel_loop3A_130 : i32 to vector<16xi32>
          %parallel_loop3A_132 = arith.shrsi %parallel_loop3A_129, %parallel_loop3A_131 : vector<16xi32>
          %parallel_loop3A_133 = arith.constant -2147483648 : i32
          %parallel_loop3A_134 = vector.broadcast %parallel_loop3A_133 : i32 to vector<16xi32>
          %parallel_loop3A_135 = arith.ori %parallel_loop3A_132, %parallel_loop3A_134 : vector<16xi32>
          %parallel_loop3A_136 = arith.xori %parallel_loop3A_129, %parallel_loop3A_135 : vector<16xi32>
          %parallel_loop3A_137 = arith.constant 22 : i32
          %parallel_loop3A_138 = vector.broadcast %parallel_loop3A_137 : i32 to vector<16xi32>
          %parallel_loop3A_139 = arith.shrui %parallel_loop3A_136, %parallel_loop3A_138 : vector<16xi32>
          %parallel_loop3A_140 = arith.constant 16 : i32
          %parallel_loop3A_141 = vector.broadcast %parallel_loop3A_140 : i32 to vector<16xi32>
          %parallel_loop3A_142 = arith.addi %iota3A, %parallel_loop3A_141 : vector<16xi32>
          %parallel_loop3A_143 = arith.constant 1025 : i32
          %parallel_loop3A_144 = vector.broadcast %parallel_loop3A_143 : i32 to vector<16xi32>
          %parallel_loop3A_145 = arith.muli %parallel_loop3A_142, %parallel_loop3A_144 : vector<16xi32>
          %parallel_loop3A_146 = arith.addi %parallel_loop3A_139, %parallel_loop3A_145 : vector<16xi32>
          tpu.vector_store_idx %arg8[%parallel_loop3A_146], %broadcast_in_dim3A_3 {add = true} : memref<32816xi32, #tpu.memory_space<vmem>>[vector<16xi32>], vector<16xi32>,
        } {sc.loop_unroll_factor = 16 : i64, sc.parallel_access}
      }
      %scan3A_31 = arith.constant 32 : i32
      %add3A_32 = arith.constant 0 : i32
      %add3A_33 = vector.broadcast %add3A_32 : i32 to vector<16xi32>
      %add3A_34 = arith.addi %iota3A, %add3A_33 : vector<16xi32>
      %mul3A_35 = arith.constant 1025 : i32
      %mul3A_36 = vector.broadcast %mul3A_35 : i32 to vector<16xi32>
      %mul3A_37 = arith.muli %add3A_34, %mul3A_36 : vector<16xi32>
      %scan3A_38 = arith.constant 0 : i32
      %scan3A_39 = arith.constant 1024 : i32
      %scan3A_40 = arith.addi %scan3A_38, %scan3A_39 : i32
      %scan3A_41 = arith.constant 1 : i32
      %scan3A_42:4 = scf.for %scan3A_73 = %scan3A_38 to %scan3A_40 step %scan3A_41 iter_args(%scan3A_74 = %broadcast_in_dim3A_1, %scan3A_75 = %broadcast_in_dim3A_1, %scan3A_76 = %broadcast_in_dim3A_1, %scan3A_77 = %broadcast_in_dim3A_1) -> (vector<16xi32>, vector<16xi32>, vector<16xi32>, vector<16xi32>)  : i32 {
        %add3A_78 = vector.broadcast %scan3A_73 : i32 to vector<16xi32>
        %add3A_79 = arith.addi %mul3A_37, %add3A_78 : vector<16xi32>
        %gather3A_80 = tpu.vector_load_idx %arg8[%add3A_79] : memref<32816xi32, #tpu.memory_space<vmem>>[vector<16xi32>], vector<16xi32>,
        %add3A_81 = arith.addi %scan3A_74, %gather3A_80 : vector<16xi32>
        %le3A = arith.constant 16384 : i32
        %le3A_82 = vector.broadcast %le3A : i32 to vector<16xi32>
        %le3A_83 = arith.cmpi sle, %add3A_81, %le3A_82 : vector<16xi32>
        %le3A_84 = arith.constant 16384 : i32
        %le3A_85 = vector.broadcast %le3A_84 : i32 to vector<16xi32>
        %le3A_86 = arith.cmpi sle, %scan3A_74, %le3A_85 : vector<16xi32>
        %not3A = arith.constant dense<true> : vector<16xi1>
        %not3A_87 = arith.xori %le3A_83, %not3A : vector<16xi1>
        %and3A = arith.andi %le3A_86, %not3A_87 : vector<16xi1>
        %select_n3A = arith.select %and3A, %gather3A_80, %scan3A_77 : vector<16xi1>, vector<16xi32>
        %convert_element_type3A_88 = arith.extui %le3A_83 : vector<16xi1> to vector<16xi32>
        %add3A_89 = arith.addi %scan3A_75, %convert_element_type3A_88 : vector<16xi32>
        %select_n3A_90 = arith.select %le3A_83, %add3A_81, %scan3A_76 : vector<16xi1>, vector<16xi32>
        scf.yield %add3A_81, %add3A_89, %select_n3A_90, %select_n3A : vector<16xi32>, vector<16xi32>, vector<16xi32>, vector<16xi32>
      }
      %scan3A_43 = arith.constant 1024 : i32
      tpu.vector_store_idx %arg10[%add3A_34], %scan3A_42#1 : memref<32xi32, #tpu.memory_space<vmem>>[vector<16xi32>], vector<16xi32>,
      tpu.vector_store_idx %arg11[%add3A_34], %scan3A_42#2 : memref<32xi32, #tpu.memory_space<vmem>>[vector<16xi32>], vector<16xi32>,
      tpu.vector_store_idx %arg12[%add3A_34], %scan3A_42#3 : memref<32xi32, #tpu.memory_space<vmem>>[vector<16xi32>], vector<16xi32>,
      %add3A_44 = arith.constant 16 : i32
      %add3A_45 = vector.broadcast %add3A_44 : i32 to vector<16xi32>
      %add3A_46 = arith.addi %iota3A, %add3A_45 : vector<16xi32>
      %mul3A_47 = arith.constant 1025 : i32
      %mul3A_48 = vector.broadcast %mul3A_47 : i32 to vector<16xi32>
      %mul3A_49 = arith.muli %add3A_46, %mul3A_48 : vector<16xi32>
      %scan3A_50 = arith.constant 0 : i32
      %scan3A_51 = arith.constant 1024 : i32
      %scan3A_52 = arith.addi %scan3A_50, %scan3A_51 : i32
      %scan3A_53 = arith.constant 1 : i32
      %scan3A_54:4 = scf.for %scan3A_73 = %scan3A_50 to %scan3A_52 step %scan3A_53 iter_args(%scan3A_74 = %broadcast_in_dim3A_1, %scan3A_75 = %broadcast_in_dim3A_1, %scan3A_76 = %broadcast_in_dim3A_1, %scan3A_77 = %broadcast_in_dim3A_1) -> (vector<16xi32>, vector<16xi32>, vector<16xi32>, vector<16xi32>)  : i32 {
        %add3A_78 = vector.broadcast %scan3A_73 : i32 to vector<16xi32>
        %add3A_79 = arith.addi %mul3A_49, %add3A_78 : vector<16xi32>
        %gather3A_80 = tpu.vector_load_idx %arg8[%add3A_79] : memref<32816xi32, #tpu.memory_space<vmem>>[vector<16xi32>], vector<16xi32>,
        %add3A_81 = arith.addi %scan3A_74, %gather3A_80 : vector<16xi32>
        %le3A = arith.constant 16384 : i32
        %le3A_82 = vector.broadcast %le3A : i32 to vector<16xi32>
        %le3A_83 = arith.cmpi sle, %add3A_81, %le3A_82 : vector<16xi32>
        %le3A_84 = arith.constant 16384 : i32
        %le3A_85 = vector.broadcast %le3A_84 : i32 to vector<16xi32>
        %le3A_86 = arith.cmpi sle, %scan3A_74, %le3A_85 : vector<16xi32>
        %not3A = arith.constant dense<true> : vector<16xi1>
        %not3A_87 = arith.xori %le3A_83, %not3A : vector<16xi1>
        %and3A = arith.andi %le3A_86, %not3A_87 : vector<16xi1>
        %select_n3A = arith.select %and3A, %gather3A_80, %scan3A_77 : vector<16xi1>, vector<16xi32>
        %convert_element_type3A_88 = arith.extui %le3A_83 : vector<16xi1> to vector<16xi32>
        %add3A_89 = arith.addi %scan3A_75, %convert_element_type3A_88 : vector<16xi32>
        %select_n3A_90 = arith.select %le3A_83, %add3A_81, %scan3A_76 : vector<16xi1>, vector<16xi32>
        scf.yield %add3A_81, %add3A_89, %select_n3A_90, %select_n3A : vector<16xi32>, vector<16xi32>, vector<16xi32>, vector<16xi32>
      }
      %scan3A_55 = arith.constant 1024 : i32
      tpu.vector_store_idx %arg10[%add3A_46], %scan3A_54#1 : memref<32xi32, #tpu.memory_space<vmem>>[vector<16xi32>], vector<16xi32>,
      tpu.vector_store_idx %arg11[%add3A_46], %scan3A_54#2 : memref<32xi32, #tpu.memory_space<vmem>>[vector<16xi32>], vector<16xi32>,
      tpu.vector_store_idx %arg12[%add3A_46], %scan3A_54#3 : memref<32xi32, #tpu.memory_space<vmem>>[vector<16xi32>], vector<16xi32>,
      %add3A_56 = arith.constant 0 : i32
      %add3A_57 = vector.broadcast %add3A_56 : i32 to vector<16xi32>
      %add3A_58 = arith.addi %iota3A, %add3A_57 : vector<16xi32>
      %gather3A = tpu.vector_load_idx %arg10[%add3A_58] : memref<32xi32, #tpu.memory_space<vmem>>[vector<16xi32>], vector<16xi32>,
      %add3A_59 = arith.constant 16 : i32
      %add3A_60 = vector.broadcast %add3A_59 : i32 to vector<16xi32>
      %add3A_61 = arith.addi %iota3A, %add3A_60 : vector<16xi32>
      %gather3A_62 = tpu.vector_load_idx %arg10[%add3A_61] : memref<32xi32, #tpu.memory_space<vmem>>[vector<16xi32>], vector<16xi32>,
      %dma_start3A_63 = arith.constant 0 : i32
      %dma_start3A_64 = tpu.memref_slice %arg2[%dma_start3A_63, %mul3A_9] : memref<32768x768xf32, #tpu.memory_space<hbm>> -> memref<512x32xf32, #tpu.memory_space<hbm>>
      %dma_start3A_65 = arith.constant 0 : i32
      %dma_start3A_66 = tpu.memref_slice %arg2[%dma_start3A_65, %mul3A_9] : memref<32768x768xf32, #tpu.memory_space<hbm>> -> memref<512x32xf32, #tpu.memory_space<hbm>>
      tpu.enqueue_dma source(%dma_start3A_66 : memref<512x32xf32, #tpu.memory_space<hbm>>) target(%arg6 : memref<512x32xf32, #tpu.memory_space<vmem>>) target_semaphore(%arg13 : memref<!tpu.dma_semaphore, #tpu.memory_space<semaphore_mem>>)
      %scan3A_67 = arith.constant 0 : i32
      %scan3A_68 = arith.constant 32 : i32
      %scan3A_69 = arith.addi %scan3A_67, %scan3A_68 : i32
      %scan3A_70 = arith.constant 1 : i32
      %scan3A_71:2 = scf.for %scan3A_73 = %scan3A_67 to %scan3A_69 step %scan3A_70 iter_args(%scan3A_74 = %broadcast_in_dim3A_1, %scan3A_75 = %broadcast_in_dim3A_1) -> (vector<16xi32>, vector<16xi32>)  : i32 {
        %mul3A_76 = arith.constant 2 : i32
        %mul3A_77 = arith.muli %mul3A_76, %scan3A_73 : i32
        %add3A_78 = arith.constant 1 : i32
        %add3A_79 = arith.addi %mul3A_77, %add3A_78 : i32
        %lt3A_80 = arith.constant 64 : i32
        %lt3A_81 = arith.cmpi slt, %add3A_79, %lt3A_80 : i32
        %convert_element_type3A_82 = arith.extui %lt3A_81 : i1 to i32
        %cond3A_83 = arith.constant 0 : i32
        %cond3A_84 = arith.cmpi ne, %convert_element_type3A_82, %cond3A_83 : i32
        scf.if %cond3A_84 {
          %add3A_108 = arith.constant 1 : i32
          %add3A_109 = arith.addi %mul3A_77, %add3A_108 : i32
          %mul3A_110 = arith.constant 512 : i32
          %mul3A_111 = arith.muli %add3A_109, %mul3A_110 : i32
          %dma_start3A_112 = tpu.memref_slice %arg2[%mul3A_111, %mul3A_9] : memref<32768x768xf32, #tpu.memory_space<hbm>> -> memref<512x32xf32, #tpu.memory_space<hbm>>
          %dma_start3A_113 = tpu.memref_slice %arg2[%mul3A_111, %mul3A_9] : memref<32768x768xf32, #tpu.memory_space<hbm>> -> memref<512x32xf32, #tpu.memory_space<hbm>>
          tpu.enqueue_dma source(%dma_start3A_113 : memref<512x32xf32, #tpu.memory_space<hbm>>) target(%arg7 : memref<512x32xf32, #tpu.memory_space<vmem>>) target_semaphore(%arg14 : memref<!tpu.dma_semaphore, #tpu.memory_space<semaphore_mem>>)
        } else {
        }
        %mul3A_85 = arith.constant 512 : i32
        %mul3A_86 = arith.muli %mul3A_77, %mul3A_85 : i32
        %dma_wait3A = tpu.memref_slice %arg2[%mul3A_86, %mul3A_9] : memref<32768x768xf32, #tpu.memory_space<hbm>> -> memref<512x32xf32, #tpu.memory_space<hbm>>
        %dma_wait3A_87 = tpu.memref_slice %arg2[%mul3A_86, %mul3A_9] : memref<32768x768xf32, #tpu.memory_space<hbm>> -> memref<512x32xf32, #tpu.memory_space<hbm>>
        tpu.wait_dma2 semaphore(%arg13 : memref<!tpu.dma_semaphore, #tpu.memory_space<semaphore_mem>>) src(%dma_wait3A_87 : memref<512x32xf32, #tpu.memory_space<hbm>>) dst(%arg6 : memref<512x32xf32, #tpu.memory_space<vmem>>)
        %parallel_loop3A = arith.constant 0 : i32
        %parallel_loop3A_88 = arith.constant 512 : i32
        %parallel_loop3A_89 = arith.constant 1 : i32
        %parallel_loop3A_90:2 = scf.for %parallel_loop3A_108 = %parallel_loop3A to %parallel_loop3A_88 step %parallel_loop3A_89 iter_args(%parallel_loop3A_109 = %scan3A_74, %parallel_loop3A_110 = %scan3A_75) -> (vector<16xi32>, vector<16xi32>)  : i32 {
          %parallel_loop3A_111 = arith.index_cast %parallel_loop3A_108 : i32 to index
          %parallel_loop3A_112 = arith.constant 0 : index
          %parallel_loop3A_113 = tpu.vector_load %arg6[%parallel_loop3A_111, %parallel_loop3A_112] {strides = array<i32>} : memref<512x32xf32, #tpu.memory_space<vmem>>, vector<16xf32>,
          %parallel_loop3A_114 = tpu.bitcast %parallel_loop3A_113 : vector<16xf32> -> vector<16xi32>
          %parallel_loop3A_115 = arith.constant 31 : i32
          %parallel_loop3A_116 = vector.broadcast %parallel_loop3A_115 : i32 to vector<16xi32>
          %parallel_loop3A_117 = arith.shrsi %parallel_loop3A_114, %parallel_loop3A_116 : vector<16xi32>
          %parallel_loop3A_118 = arith.constant -2147483648 : i32
          %parallel_loop3A_119 = vector.broadcast %parallel_loop3A_118 : i32 to vector<16xi32>
          %parallel_loop3A_120 = arith.ori %parallel_loop3A_117, %parallel_loop3A_119 : vector<16xi32>
          %parallel_loop3A_121 = arith.xori %parallel_loop3A_114, %parallel_loop3A_120 : vector<16xi32>
          %parallel_loop3A_122 = arith.constant 22 : i32
          %parallel_loop3A_123 = vector.broadcast %parallel_loop3A_122 : i32 to vector<16xi32>
          %parallel_loop3A_124 = arith.shrui %parallel_loop3A_121, %parallel_loop3A_123 : vector<16xi32>
          %parallel_loop3A_125 = arith.cmpi eq, %parallel_loop3A_124, %gather3A : vector<16xi32>
          %parallel_loop3A_126 = arith.constant 512 : i32
          %parallel_loop3A_127 = vector.broadcast %parallel_loop3A_126 : i32 to vector<16xi32>
          %parallel_loop3A_128 = arith.cmpi slt, %parallel_loop3A_109, %parallel_loop3A_127 : vector<16xi32>
          %parallel_loop3A_129 = arith.andi %parallel_loop3A_125, %parallel_loop3A_128 : vector<16xi1>
          %parallel_loop3A_130 = arith.constant 0 : i32
          %parallel_loop3A_131 = vector.broadcast %parallel_loop3A_130 : i32 to vector<16xi32>
          %parallel_loop3A_132 = arith.addi %iota3A, %parallel_loop3A_131 : vector<16xi32>
          tpu.vector_store_idx %arg9[%parallel_loop3A_109, %parallel_loop3A_132], %parallel_loop3A_113 masked %parallel_loop3A_129 : memref<512x32xf32, #tpu.memory_space<vmem>>[vector<16xi32>, vector<16xi32>], vector<16xf32>, vector<16xi1>
          %parallel_loop3A_133 = arith.extui %parallel_loop3A_125 : vector<16xi1> to vector<16xi32>
          %parallel_loop3A_134 = arith.addi %parallel_loop3A_109, %parallel_loop3A_133 : vector<16xi32>
          %parallel_loop3A_135 = arith.index_cast %parallel_loop3A_108 : i32 to index
          %parallel_loop3A_136 = arith.constant 16 : index
          %parallel_loop3A_137 = tpu.vector_load %arg6[%parallel_loop3A_135, %parallel_loop3A_136] {strides = array<i32>} : memref<512x32xf32, #tpu.memory_space<vmem>>, vector<16xf32>,
          %parallel_loop3A_138 = tpu.bitcast %parallel_loop3A_137 : vector<16xf32> -> vector<16xi32>
          %parallel_loop3A_139 = arith.constant 31 : i32
          %parallel_loop3A_140 = vector.broadcast %parallel_loop3A_139 : i32 to vector<16xi32>
          %parallel_loop3A_141 = arith.shrsi %parallel_loop3A_138, %parallel_loop3A_140 : vector<16xi32>
          %parallel_loop3A_142 = arith.constant -2147483648 : i32
          %parallel_loop3A_143 = vector.broadcast %parallel_loop3A_142 : i32 to vector<16xi32>
          %parallel_loop3A_144 = arith.ori %parallel_loop3A_141, %parallel_loop3A_143 : vector<16xi32>
          %parallel_loop3A_145 = arith.xori %parallel_loop3A_138, %parallel_loop3A_144 : vector<16xi32>
          %parallel_loop3A_146 = arith.constant 22 : i32
          %parallel_loop3A_147 = vector.broadcast %parallel_loop3A_146 : i32 to vector<16xi32>
          %parallel_loop3A_148 = arith.shrui %parallel_loop3A_145, %parallel_loop3A_147 : vector<16xi32>
          %parallel_loop3A_149 = arith.cmpi eq, %parallel_loop3A_148, %gather3A_62 : vector<16xi32>
          %parallel_loop3A_150 = arith.constant 512 : i32
          %parallel_loop3A_151 = vector.broadcast %parallel_loop3A_150 : i32 to vector<16xi32>
          %parallel_loop3A_152 = arith.cmpi slt, %parallel_loop3A_110, %parallel_loop3A_151 : vector<16xi32>
          %parallel_loop3A_153 = arith.andi %parallel_loop3A_149, %parallel_loop3A_152 : vector<16xi1>
          %parallel_loop3A_154 = arith.constant 16 : i32
          %parallel_loop3A_155 = vector.broadcast %parallel_loop3A_154 : i32 to vector<16xi32>
          %parallel_loop3A_156 = arith.addi %iota3A, %parallel_loop3A_155 : vector<16xi32>
          tpu.vector_store_idx %arg9[%parallel_loop3A_110, %parallel_loop3A_156], %parallel_loop3A_137 masked %parallel_loop3A_153 : memref<512x32xf32, #tpu.memory_space<vmem>>[vector<16xi32>, vector<16xi32>], vector<16xf32>, vector<16xi1>
          %parallel_loop3A_157 = arith.extui %parallel_loop3A_149 : vector<16xi1> to vector<16xi32>
          %parallel_loop3A_158 = arith.addi %parallel_loop3A_110, %parallel_loop3A_157 : vector<16xi32>
          scf.yield %parallel_loop3A_134, %parallel_loop3A_158 : vector<16xi32>, vector<16xi32>
        } {sc.loop_unroll_factor = 8 : i64, sc.parallel_access}
        %add3A_91 = arith.constant 2 : i32
        %add3A_92 = arith.addi %mul3A_77, %add3A_91 : i32
        %lt3A_93 = arith.constant 64 : i32
        %lt3A_94 = arith.cmpi slt, %add3A_92, %lt3A_93 : i32
        %convert_element_type3A_95 = arith.extui %lt3A_94 : i1 to i32
        %cond3A_96 = arith.constant 0 : i32
        %cond3A_97 = arith.cmpi ne, %convert_element_type3A_95, %cond3A_96 : i32
        scf.if %cond3A_97 {
          %add3A_108 = arith.constant 2 : i32
          %add3A_109 = arith.addi %mul3A_77, %add3A_108 : i32
          %mul3A_110 = arith.constant 512 : i32
          %mul3A_111 = arith.muli %add3A_109, %mul3A_110 : i32
          %dma_start3A_112 = tpu.memref_slice %arg2[%mul3A_111, %mul3A_9] : memref<32768x768xf32, #tpu.memory_space<hbm>> -> memref<512x32xf32, #tpu.memory_space<hbm>>
          %dma_start3A_113 = tpu.memref_slice %arg2[%mul3A_111, %mul3A_9] : memref<32768x768xf32, #tpu.memory_space<hbm>> -> memref<512x32xf32, #tpu.memory_space<hbm>>
          tpu.enqueue_dma source(%dma_start3A_113 : memref<512x32xf32, #tpu.memory_space<hbm>>) target(%arg6 : memref<512x32xf32, #tpu.memory_space<vmem>>) target_semaphore(%arg13 : memref<!tpu.dma_semaphore, #tpu.memory_space<semaphore_mem>>)
        } else {
        }
        %add3A_98 = arith.constant 1 : i32
        %add3A_99 = arith.addi %mul3A_77, %add3A_98 : i32
        %mul3A_100 = arith.constant 512 : i32
        %mul3A_101 = arith.muli %add3A_99, %mul3A_100 : i32
        %dma_wait3A_102 = tpu.memref_slice %arg2[%mul3A_101, %mul3A_9] : memref<32768x768xf32, #tpu.memory_space<hbm>> -> memref<512x32xf32, #tpu.memory_space<hbm>>
        %dma_wait3A_103 = tpu.memref_slice %arg2[%mul3A_101, %mul3A_9] : memref<32768x768xf32, #tpu.memory_space<hbm>> -> memref<512x32xf32, #tpu.memory_space<hbm>>
        tpu.wait_dma2 semaphore(%arg14 : memref<!tpu.dma_semaphore, #tpu.memory_space<semaphore_mem>>) src(%dma_wait3A_103 : memref<512x32xf32, #tpu.memory_space<hbm>>) dst(%arg7 : memref<512x32xf32, #tpu.memory_space<vmem>>)
        %parallel_loop3A_104 = arith.constant 0 : i32
        %parallel_loop3A_105 = arith.constant 512 : i32
        %parallel_loop3A_106 = arith.constant 1 : i32
        %parallel_loop3A_107:2 = scf.for %parallel_loop3A_108 = %parallel_loop3A_104 to %parallel_loop3A_105 step %parallel_loop3A_106 iter_args(%parallel_loop3A_109 = %parallel_loop3A_90#0, %parallel_loop3A_110 = %parallel_loop3A_90#1) -> (vector<16xi32>, vector<16xi32>)  : i32 {
          %parallel_loop3A_111 = arith.index_cast %parallel_loop3A_108 : i32 to index
          %parallel_loop3A_112 = arith.constant 0 : index
          %parallel_loop3A_113 = tpu.vector_load %arg7[%parallel_loop3A_111, %parallel_loop3A_112] {strides = array<i32>} : memref<512x32xf32, #tpu.memory_space<vmem>>, vector<16xf32>,
          %parallel_loop3A_114 = tpu.bitcast %parallel_loop3A_113 : vector<16xf32> -> vector<16xi32>
          %parallel_loop3A_115 = arith.constant 31 : i32
          %parallel_loop3A_116 = vector.broadcast %parallel_loop3A_115 : i32 to vector<16xi32>
          %parallel_loop3A_117 = arith.shrsi %parallel_loop3A_114, %parallel_loop3A_116 : vector<16xi32>
          %parallel_loop3A_118 = arith.constant -2147483648 : i32
          %parallel_loop3A_119 = vector.broadcast %parallel_loop3A_118 : i32 to vector<16xi32>
          %parallel_loop3A_120 = arith.ori %parallel_loop3A_117, %parallel_loop3A_119 : vector<16xi32>
          %parallel_loop3A_121 = arith.xori %parallel_loop3A_114, %parallel_loop3A_120 : vector<16xi32>
          %parallel_loop3A_122 = arith.constant 22 : i32
          %parallel_loop3A_123 = vector.broadcast %parallel_loop3A_122 : i32 to vector<16xi32>
          %parallel_loop3A_124 = arith.shrui %parallel_loop3A_121, %parallel_loop3A_123 : vector<16xi32>
          %parallel_loop3A_125 = arith.cmpi eq, %parallel_loop3A_124, %gather3A : vector<16xi32>
          %parallel_loop3A_126 = arith.constant 512 : i32
          %parallel_loop3A_127 = vector.broadcast %parallel_loop3A_126 : i32 to vector<16xi32>
          %parallel_loop3A_128 = arith.cmpi slt, %parallel_loop3A_109, %parallel_loop3A_127 : vector<16xi32>
          %parallel_loop3A_129 = arith.andi %parallel_loop3A_125, %parallel_loop3A_128 : vector<16xi1>
          %parallel_loop3A_130 = arith.constant 0 : i32
          %parallel_loop3A_131 = vector.broadcast %parallel_loop3A_130 : i32 to vector<16xi32>
          %parallel_loop3A_132 = arith.addi %iota3A, %parallel_loop3A_131 : vector<16xi32>
          tpu.vector_store_idx %arg9[%parallel_loop3A_109, %parallel_loop3A_132], %parallel_loop3A_113 masked %parallel_loop3A_129 : memref<512x32xf32, #tpu.memory_space<vmem>>[vector<16xi32>, vector<16xi32>], vector<16xf32>, vector<16xi1>
          %parallel_loop3A_133 = arith.extui %parallel_loop3A_125 : vector<16xi1> to vector<16xi32>
          %parallel_loop3A_134 = arith.addi %parallel_loop3A_109, %parallel_loop3A_133 : vector<16xi32>
          %parallel_loop3A_135 = arith.index_cast %parallel_loop3A_108 : i32 to index
          %parallel_loop3A_136 = arith.constant 16 : index
          %parallel_loop3A_137 = tpu.vector_load %arg7[%parallel_loop3A_135, %parallel_loop3A_136] {strides = array<i32>} : memref<512x32xf32, #tpu.memory_space<vmem>>, vector<16xf32>,
          %parallel_loop3A_138 = tpu.bitcast %parallel_loop3A_137 : vector<16xf32> -> vector<16xi32>
          %parallel_loop3A_139 = arith.constant 31 : i32
          %parallel_loop3A_140 = vector.broadcast %parallel_loop3A_139 : i32 to vector<16xi32>
          %parallel_loop3A_141 = arith.shrsi %parallel_loop3A_138, %parallel_loop3A_140 : vector<16xi32>
          %parallel_loop3A_142 = arith.constant -2147483648 : i32
          %parallel_loop3A_143 = vector.broadcast %parallel_loop3A_142 : i32 to vector<16xi32>
          %parallel_loop3A_144 = arith.ori %parallel_loop3A_141, %parallel_loop3A_143 : vector<16xi32>
          %parallel_loop3A_145 = arith.xori %parallel_loop3A_138, %parallel_loop3A_144 : vector<16xi32>
          %parallel_loop3A_146 = arith.constant 22 : i32
          %parallel_loop3A_147 = vector.broadcast %parallel_loop3A_146 : i32 to vector<16xi32>
          %parallel_loop3A_148 = arith.shrui %parallel_loop3A_145, %parallel_loop3A_147 : vector<16xi32>
          %parallel_loop3A_149 = arith.cmpi eq, %parallel_loop3A_148, %gather3A_62 : vector<16xi32>
          %parallel_loop3A_150 = arith.constant 512 : i32
          %parallel_loop3A_151 = vector.broadcast %parallel_loop3A_150 : i32 to vector<16xi32>
          %parallel_loop3A_152 = arith.cmpi slt, %parallel_loop3A_110, %parallel_loop3A_151 : vector<16xi32>
          %parallel_loop3A_153 = arith.andi %parallel_loop3A_149, %parallel_loop3A_152 : vector<16xi1>
          %parallel_loop3A_154 = arith.constant 16 : i32
          %parallel_loop3A_155 = vector.broadcast %parallel_loop3A_154 : i32 to vector<16xi32>
          %parallel_loop3A_156 = arith.addi %iota3A, %parallel_loop3A_155 : vector<16xi32>
          tpu.vector_store_idx %arg9[%parallel_loop3A_110, %parallel_loop3A_156], %parallel_loop3A_137 masked %parallel_loop3A_153 : memref<512x32xf32, #tpu.memory_space<vmem>>[vector<16xi32>, vector<16xi32>], vector<16xf32>, vector<16xi1>
          %parallel_loop3A_157 = arith.extui %parallel_loop3A_149 : vector<16xi1> to vector<16xi32>
          %parallel_loop3A_158 = arith.addi %parallel_loop3A_110, %parallel_loop3A_157 : vector<16xi32>
          scf.yield %parallel_loop3A_134, %parallel_loop3A_158 : vector<16xi32>, vector<16xi32>
        } {sc.loop_unroll_factor = 8 : i64, sc.parallel_access}
        scf.yield %parallel_loop3A_107#0, %parallel_loop3A_107#1 : vector<16xi32>, vector<16xi32>
      }
      %scan3A_72 = arith.constant 32 : i32
      "tpu.region"() ({
        %run_scoped3A = tpu.sem_alloc : memref<!tpu.dma_semaphore, #tpu.memory_space<semaphore_mem>>
        %dma_start3A_73 = arith.constant 0 : i32
        %dma_start3A_74 = tpu.memref_slice %arg3[%dma_start3A_73, %mul3A_9] : memref<512x768xf32, #tpu.memory_space<hbm>> -> memref<512x32xf32, #tpu.memory_space<hbm>>
        %dma_start3A_75 = arith.constant 0 : i32
        %dma_start3A_76 = tpu.memref_slice %arg3[%dma_start3A_75, %mul3A_9] : memref<512x768xf32, #tpu.memory_space<hbm>> -> memref<512x32xf32, #tpu.memory_space<hbm>>
        tpu.enqueue_dma source(%arg9 : memref<512x32xf32, #tpu.memory_space<vmem>>) target(%dma_start3A_76 : memref<512x32xf32, #tpu.memory_space<hbm>>) target_semaphore(%run_scoped3A : memref<!tpu.dma_semaphore, #tpu.memory_space<semaphore_mem>>)
        %dma_wait3A = arith.constant 0 : i32
        %dma_wait3A_77 = tpu.memref_slice %arg3[%dma_wait3A, %mul3A_9] : memref<512x768xf32, #tpu.memory_space<hbm>> -> memref<512x32xf32, #tpu.memory_space<hbm>>
        %dma_wait3A_78 = arith.constant 0 : i32
        %dma_wait3A_79 = tpu.memref_slice %arg3[%dma_wait3A_78, %mul3A_9] : memref<512x768xf32, #tpu.memory_space<hbm>> -> memref<512x32xf32, #tpu.memory_space<hbm>>
        tpu.wait_dma2 semaphore(%run_scoped3A : memref<!tpu.dma_semaphore, #tpu.memory_space<semaphore_mem>>) src(%arg9 : memref<512x32xf32, #tpu.memory_space<vmem>>) dst(%dma_wait3A_79 : memref<512x32xf32, #tpu.memory_space<hbm>>)
        tpu.yield
      }) : () -> ()
      "tpu.region"() ({
        %run_scoped3A = tpu.sem_alloc : memref<!tpu.dma_semaphore, #tpu.memory_space<semaphore_mem>>
        %dma_start3A_73 = tpu.memref_slice %arg4[%mul3A_9] : memref<768xi32, #tpu.memory_space<hbm>> -> memref<32xi32, #tpu.memory_space<hbm>>
        %dma_start3A_74 = tpu.memref_slice %arg4[%mul3A_9] : memref<768xi32, #tpu.memory_space<hbm>> -> memref<32xi32, #tpu.memory_space<hbm>>
        tpu.enqueue_dma source(%arg11 : memref<32xi32, #tpu.memory_space<vmem>>) target(%dma_start3A_74 : memref<32xi32, #tpu.memory_space<hbm>>) target_semaphore(%run_scoped3A : memref<!tpu.dma_semaphore, #tpu.memory_space<semaphore_mem>>)
        %dma_wait3A = tpu.memref_slice %arg4[%mul3A_9] : memref<768xi32, #tpu.memory_space<hbm>> -> memref<32xi32, #tpu.memory_space<hbm>>
        %dma_wait3A_75 = tpu.memref_slice %arg4[%mul3A_9] : memref<768xi32, #tpu.memory_space<hbm>> -> memref<32xi32, #tpu.memory_space<hbm>>
        tpu.wait_dma2 semaphore(%run_scoped3A : memref<!tpu.dma_semaphore, #tpu.memory_space<semaphore_mem>>) src(%arg11 : memref<32xi32, #tpu.memory_space<vmem>>) dst(%dma_wait3A_75 : memref<32xi32, #tpu.memory_space<hbm>>)
        tpu.yield
      }) : () -> ()
      "tpu.region"() ({
        %run_scoped3A = tpu.sem_alloc : memref<!tpu.dma_semaphore, #tpu.memory_space<semaphore_mem>>
        %dma_start3A_73 = tpu.memref_slice %arg5[%mul3A_9] : memref<768xi32, #tpu.memory_space<hbm>> -> memref<32xi32, #tpu.memory_space<hbm>>
        %dma_start3A_74 = tpu.memref_slice %arg5[%mul3A_9] : memref<768xi32, #tpu.memory_space<hbm>> -> memref<32xi32, #tpu.memory_space<hbm>>
        tpu.enqueue_dma source(%arg12 : memref<32xi32, #tpu.memory_space<vmem>>) target(%dma_start3A_74 : memref<32xi32, #tpu.memory_space<hbm>>) target_semaphore(%run_scoped3A : memref<!tpu.dma_semaphore, #tpu.memory_space<semaphore_mem>>)
        %dma_wait3A = tpu.memref_slice %arg5[%mul3A_9] : memref<768xi32, #tpu.memory_space<hbm>> -> memref<32xi32, #tpu.memory_space<hbm>>
        %dma_wait3A_75 = tpu.memref_slice %arg5[%mul3A_9] : memref<768xi32, #tpu.memory_space<hbm>> -> memref<32xi32, #tpu.memory_space<hbm>>
        tpu.wait_dma2 semaphore(%run_scoped3A : memref<!tpu.dma_semaphore, #tpu.memory_space<semaphore_mem>>) src(%arg12 : memref<32xi32, #tpu.memory_space<vmem>>) dst(%dma_wait3A_75 : memref<32xi32, #tpu.memory_space<hbm>>)
        tpu.yield
      }) : () -> ()
    } else {
    }
    return
  }
}

module attributes {stable_mosaic.version = 14 : i64} {
  func.func @_median_body(%arg0: i32, %arg1: memref<32768x128xf32, #tpu.memory_space<vmem>>, %arg2: memref<1x128xf32, #tpu.memory_space<vmem>>, %arg3: memref<1x1xf32, #tpu.memory_space<smem>>, %arg4: memref<1x128xf32, #tpu.memory_space<vmem>>) attributes {dimension_semantics = [#tpu.dimension_semantics<arbitrary>], iteration_bounds = array<i64: 6>, scalar_prefetch = 0 : i64, scratch_operands = 0 : i64, tpu.core_type = #tpu.core_type<tc>, window_params = [{transform_indices = @transform_0, window_bounds = array<i64: 32768, 128>}, {transform_indices = @transform_1, window_bounds = array<i64: 1, 128>}, {transform_indices = @transform_2, window_bounds = array<i64: 1, 1>}, {transform_indices = @transform_3, window_bounds = array<i64: 1, 128>}]} {
    %broadcast_in_dim3A = arith.constant 16384 : i32
    %broadcast_in_dim3A_0 = vector.broadcast %broadcast_in_dim3A : i32 to vector<1x128xi32>
    %broadcast_in_dim3A_1 = arith.constant -2147483648 : i32
    %broadcast_in_dim3A_2 = vector.broadcast %broadcast_in_dim3A_1 : i32 to vector<1x128xi32>
    %scan3A = arith.constant 0 : i32
    %scan3A_3 = arith.constant 32 : i32
    %scan3A_4 = arith.addi %scan3A, %scan3A_3 : i32
    %scan3A_5 = arith.constant 1 : i32
    %scan3A_6 = scf.for %scan3A_23 = %scan3A to %scan3A_4 step %scan3A_5 iter_args(%scan3A_24 = %broadcast_in_dim3A_2) -> (vector<1x128xi32>)  : i32 {
      %sub3A = arith.constant 31 : i32
      %sub3A_25 = arith.subi %sub3A, %scan3A_23 : i32
      %shift_left3A = arith.constant 1 : i32
      %shift_left3A_26 = arith.shli %shift_left3A, %sub3A_25 : i32
      %add3A_27 = vector.broadcast %shift_left3A_26 : i32 to vector<1x128xi32>
      %add3A_28 = arith.addi %scan3A_24, %add3A_27 : vector<1x128xi32>
      %shift_right_arithmetic3A_29 = arith.constant 31 : i32
      %shift_right_arithmetic3A_30 = vector.broadcast %shift_right_arithmetic3A_29 : i32 to vector<1x128xi32>
      %shift_right_arithmetic3A_31 = arith.shrsi %add3A_28, %shift_right_arithmetic3A_30 : vector<1x128xi32>
      %and3A_32 = arith.constant 2147483647 : i32
      %and3A_33 = vector.broadcast %and3A_32 : i32 to vector<1x128xi32>
      %and3A_34 = arith.andi %shift_right_arithmetic3A_31, %and3A_33 : vector<1x128xi32>
      %xor3A_35 = arith.xori %add3A_28, %and3A_34 : vector<1x128xi32>
      %bitcast_convert_type3A_36 = tpu.bitcast %xor3A_35 : vector<1x128xi32> -> vector<1x128xf32>
      %broadcast_in_dim3A_37 = arith.constant 0 : i32
      %broadcast_in_dim3A_38 = vector.broadcast %broadcast_in_dim3A_37 : i32 to vector<8x128xi32>
      %scan3A_39 = arith.constant 0 : i32
      %scan3A_40 = arith.constant 128 : i32
      %scan3A_41 = arith.addi %scan3A_39, %scan3A_40 : i32
      %scan3A_42 = arith.constant 1 : i32
      %scan3A_43 = scf.for %scan3A_47 = %scan3A_39 to %scan3A_41 step %scan3A_42 iter_args(%scan3A_48 = %broadcast_in_dim3A_38) -> (vector<8x128xi32>)  : i32 {
        %mul3A_49 = arith.constant 256 : i32
        %mul3A_50 = arith.muli %scan3A_47, %mul3A_49 : i32
        %get3A_51 = arith.index_cast %mul3A_50 : i32 to index
        %get3A_52 = arith.constant 0 : index
        %get3A_53 = vector.load %arg1[%get3A_51, %get3A_52] : memref<32768x128xf32, #tpu.memory_space<vmem>>, vector<256x128xf32>
        %lt3A = vector.broadcast %bitcast_convert_type3A_36 : vector<1x128xf32> to vector<256x128xf32>
        %lt3A_54 = arith.cmpf olt, %get3A_53, %lt3A : vector<256x128xf32>
        %convert_element_type3A = arith.extui %lt3A_54 : vector<256x128xi1> to vector<256x128xi32>
        %reshape3A = vector.shape_cast %convert_element_type3A : vector<256x128xi32> to vector<32x8x128xi32>
        %reduce_sum3A_55 = arith.constant dense<0> : vector<8x128xi32>
        %reduce_sum3A_56 = vector.multi_reduction <add>, %reshape3A, %reduce_sum3A_55 [0] : vector<32x8x128xi32> to vector<8x128xi32>
        %add3A_57 = arith.addi %scan3A_48, %reduce_sum3A_56 : vector<8x128xi32>
        scf.yield %add3A_57 : vector<8x128xi32>
      }
      %scan3A_44 = arith.constant 128 : i32
      %reduce_sum3A = arith.constant dense<0> : vector<128xi32>
      %reduce_sum3A_45 = vector.multi_reduction <add>, %scan3A_43, %reduce_sum3A [0] : vector<8x128xi32> to vector<128xi32>
      %broadcast_in_dim3A_46 = vector.shape_cast %reduce_sum3A_45 : vector<128xi32> to vector<1x128xi32>
      %le3A = arith.cmpi sle, %broadcast_in_dim3A_46, %broadcast_in_dim3A_0 : vector<1x128xi32>
      %select_n3A = arith.select %le3A, %add3A_28, %scan3A_24 : vector<1x128xi1>, vector<1x128xi32>
      scf.yield %select_n3A : vector<1x128xi32>
    }
    %scan3A_7 = arith.constant 32 : i32
    %shift_right_arithmetic3A = arith.constant 31 : i32
    %shift_right_arithmetic3A_8 = vector.broadcast %shift_right_arithmetic3A : i32 to vector<1x128xi32>
    %shift_right_arithmetic3A_9 = arith.shrsi %scan3A_6, %shift_right_arithmetic3A_8 : vector<1x128xi32>
    %and3A = arith.constant 2147483647 : i32
    %and3A_10 = vector.broadcast %and3A : i32 to vector<1x128xi32>
    %and3A_11 = arith.andi %shift_right_arithmetic3A_9, %and3A_10 : vector<1x128xi32>
    %xor3A = arith.xori %scan3A_6, %and3A_11 : vector<1x128xi32>
    %bitcast_convert_type3A = tpu.bitcast %xor3A : vector<1x128xi32> -> vector<1x128xf32>
    %get3A = arith.constant 0 : index
    %get3A_12 = arith.constant 0 : index
    %get3A_13 = memref.load %arg3[%get3A, %get3A_12] : memref<1x1xf32, #tpu.memory_space<smem>>
    %get3A_14 = arith.constant 0 : index
    %get3A_15 = arith.constant 0 : index
    %get3A_16 = vector.load %arg2[%get3A_14, %get3A_15] : memref<1x128xf32, #tpu.memory_space<vmem>>, vector<1x128xf32>
    %mul3A = vector.broadcast %get3A_13 : f32 to vector<1x128xf32>
    %mul3A_17 = arith.mulf %get3A_16, %mul3A : vector<1x128xf32>
    %add3A = arith.addf %mul3A_17, %bitcast_convert_type3A : vector<1x128xf32>
    %add3A_18 = arith.constant 1.000000e+00 : f32
    %add3A_19 = arith.addf %get3A_13, %add3A_18 : f32
    %div3A = vector.broadcast %add3A_19 : f32 to vector<1x128xf32>
    %div3A_20 = arith.divf %add3A, %div3A : vector<1x128xf32>
    %swap3A = arith.constant 0 : index
    %swap3A_21 = arith.constant 0 : index
    %swap3A_22 = vector.load %arg4[%swap3A, %swap3A_21] : memref<1x128xf32, #tpu.memory_space<vmem>>, vector<1x128xf32>
    tpu.vector_store %arg4[%swap3A, %swap3A_21], %div3A_20 {strides = array<i32>} : memref<1x128xf32, #tpu.memory_space<vmem>>, vector<1x128xf32>,
    return
  }
  func.func @transform_0(%arg0: i32) -> (i32, i32) {
    %c0_i32 = arith.constant 0 : i32
    %c0_i32_0 = arith.constant 0 : i32
    return %c0_i32, %arg0 : i32, i32
  }
  func.func @transform_1(%arg0: i32) -> (i32, i32) {
    %c0_i32 = arith.constant 0 : i32
    %c0_i32_0 = arith.constant 0 : i32
    return %c0_i32, %arg0 : i32, i32
  }
  func.func @transform_2(%arg0: i32) -> (i32, i32) {
    %c0_i32 = arith.constant 0 : i32
    %c0_i32_0 = arith.constant 0 : i32
    %c0_i32_1 = arith.constant 0 : i32
    return %c0_i32, %c0_i32_0 : i32, i32
  }
  func.func @transform_3(%arg0: i32) -> (i32, i32) {
    %c0_i32 = arith.constant 0 : i32
    %c0_i32_0 = arith.constant 0 : i32
    return %c0_i32, %arg0 : i32, i32
  }
}

module attributes {stable_mosaic.version = 14 : i64} {
  func.func @_select_body(%arg0: memref<512x768xf32, #tpu.memory_space<vmem>>, %arg1: memref<1x768xi32, #tpu.memory_space<vmem>>, %arg2: memref<1x768xf32, #tpu.memory_space<vmem>>, %arg3: memref<1x1xf32, #tpu.memory_space<smem>>, %arg4: memref<1x768xf32, #tpu.memory_space<vmem>>) attributes {dimension_semantics = [], scalar_prefetch = 0 : i64, scratch_operands = 0 : i64, tpu.core_type = #tpu.core_type<tc>} {
    %get3A = arith.constant 0 : index
    %get3A_0 = arith.constant 0 : index
    %get3A_1 = vector.load %arg1[%get3A, %get3A_0] : memref<1x768xi32, #tpu.memory_space<vmem>>, vector<1x768xi32>
    %sub3A = arith.constant 16384 : i32
    %sub3A_2 = vector.broadcast %sub3A : i32 to vector<1x768xi32>
    %sub3A_3 = arith.subi %sub3A_2, %get3A_1 : vector<1x768xi32>
    %broadcast_in_dim3A = arith.constant -2147483648 : i32
    %broadcast_in_dim3A_4 = vector.broadcast %broadcast_in_dim3A : i32 to vector<1x768xi32>
    %scan3A = arith.constant 0 : i32
    %scan3A_5 = arith.constant 32 : i32
    %scan3A_6 = arith.addi %scan3A, %scan3A_5 : i32
    %scan3A_7 = arith.constant 1 : i32
    %scan3A_8 = scf.for %scan3A_26 = %scan3A to %scan3A_6 step %scan3A_7 iter_args(%scan3A_27 = %broadcast_in_dim3A_4) -> (vector<1x768xi32>)  : i32 {
      %sub3A_28 = arith.constant 31 : i32
      %sub3A_29 = arith.subi %sub3A_28, %scan3A_26 : i32
      %shift_left3A = arith.constant 1 : i32
      %shift_left3A_30 = arith.shli %shift_left3A, %sub3A_29 : i32
      %add3A_31 = vector.broadcast %shift_left3A_30 : i32 to vector<1x768xi32>
      %add3A_32 = arith.addi %scan3A_27, %add3A_31 : vector<1x768xi32>
      %shift_right_arithmetic3A_33 = arith.constant 31 : i32
      %shift_right_arithmetic3A_34 = vector.broadcast %shift_right_arithmetic3A_33 : i32 to vector<1x768xi32>
      %shift_right_arithmetic3A_35 = arith.shrsi %add3A_32, %shift_right_arithmetic3A_34 : vector<1x768xi32>
      %and3A_36 = arith.constant 2147483647 : i32
      %and3A_37 = vector.broadcast %and3A_36 : i32 to vector<1x768xi32>
      %and3A_38 = arith.andi %shift_right_arithmetic3A_35, %and3A_37 : vector<1x768xi32>
      %xor3A_39 = arith.xori %add3A_32, %and3A_38 : vector<1x768xi32>
      %bitcast_convert_type3A_40 = tpu.bitcast %xor3A_39 : vector<1x768xi32> -> vector<1x768xf32>
      %broadcast_in_dim3A_41 = arith.constant 0 : i32
      %broadcast_in_dim3A_42 = vector.broadcast %broadcast_in_dim3A_41 : i32 to vector<8x768xi32>
      %scan3A_43 = arith.constant 0 : i32
      %scan3A_44 = arith.constant 2 : i32
      %scan3A_45 = arith.addi %scan3A_43, %scan3A_44 : i32
      %scan3A_46 = arith.constant 1 : i32
      %scan3A_47 = scf.for %scan3A_51 = %scan3A_43 to %scan3A_45 step %scan3A_46 iter_args(%scan3A_52 = %broadcast_in_dim3A_42) -> (vector<8x768xi32>)  : i32 {
        %mul3A_53 = arith.constant 256 : i32
        %mul3A_54 = arith.muli %scan3A_51, %mul3A_53 : i32
        %get3A_55 = arith.index_cast %mul3A_54 : i32 to index
        %get3A_56 = arith.constant 0 : index
        %get3A_57 = vector.load %arg0[%get3A_55, %get3A_56] : memref<512x768xf32, #tpu.memory_space<vmem>>, vector<256x768xf32>
        %lt3A = vector.broadcast %bitcast_convert_type3A_40 : vector<1x768xf32> to vector<256x768xf32>
        %lt3A_58 = arith.cmpf olt, %get3A_57, %lt3A : vector<256x768xf32>
        %convert_element_type3A = arith.extui %lt3A_58 : vector<256x768xi1> to vector<256x768xi32>
        %reshape3A = vector.shape_cast %convert_element_type3A : vector<256x768xi32> to vector<32x8x768xi32>
        %reduce_sum3A_59 = arith.constant dense<0> : vector<8x768xi32>
        %reduce_sum3A_60 = vector.multi_reduction <add>, %reshape3A, %reduce_sum3A_59 [0] : vector<32x8x768xi32> to vector<8x768xi32>
        %add3A_61 = arith.addi %scan3A_52, %reduce_sum3A_60 : vector<8x768xi32>
        scf.yield %add3A_61 : vector<8x768xi32>
      }
      %scan3A_48 = arith.constant 2 : i32
      %reduce_sum3A = arith.constant dense<0> : vector<768xi32>
      %reduce_sum3A_49 = vector.multi_reduction <add>, %scan3A_47, %reduce_sum3A [0] : vector<8x768xi32> to vector<768xi32>
      %broadcast_in_dim3A_50 = vector.shape_cast %reduce_sum3A_49 : vector<768xi32> to vector<1x768xi32>
      %le3A = arith.cmpi sle, %broadcast_in_dim3A_50, %sub3A_3 : vector<1x768xi32>
      %select_n3A = arith.select %le3A, %add3A_32, %scan3A_27 : vector<1x768xi1>, vector<1x768xi32>
      scf.yield %select_n3A : vector<1x768xi32>
    }
    %scan3A_9 = arith.constant 32 : i32
    %shift_right_arithmetic3A = arith.constant 31 : i32
    %shift_right_arithmetic3A_10 = vector.broadcast %shift_right_arithmetic3A : i32 to vector<1x768xi32>
    %shift_right_arithmetic3A_11 = arith.shrsi %scan3A_8, %shift_right_arithmetic3A_10 : vector<1x768xi32>
    %and3A = arith.constant 2147483647 : i32
    %and3A_12 = vector.broadcast %and3A : i32 to vector<1x768xi32>
    %and3A_13 = arith.andi %shift_right_arithmetic3A_11, %and3A_12 : vector<1x768xi32>
    %xor3A = arith.xori %scan3A_8, %and3A_13 : vector<1x768xi32>
    %bitcast_convert_type3A = tpu.bitcast %xor3A : vector<1x768xi32> -> vector<1x768xf32>
    %get3A_14 = arith.constant 0 : index
    %get3A_15 = arith.constant 0 : index
    %get3A_16 = memref.load %arg3[%get3A_14, %get3A_15] : memref<1x1xf32, #tpu.memory_space<smem>>
    %get3A_17 = arith.constant 0 : index
    %get3A_18 = arith.constant 0 : index
    %get3A_19 = vector.load %arg2[%get3A_17, %get3A_18] : memref<1x768xf32, #tpu.memory_space<vmem>>, vector<1x768xf32>
    %mul3A = vector.broadcast %get3A_16 : f32 to vector<1x768xf32>
    %mul3A_20 = arith.mulf %get3A_19, %mul3A : vector<1x768xf32>
    %add3A = arith.addf %mul3A_20, %bitcast_convert_type3A : vector<1x768xf32>
    %add3A_21 = arith.constant 1.000000e+00 : f32
    %add3A_22 = arith.addf %get3A_16, %add3A_21 : f32
    %div3A = vector.broadcast %add3A_22 : f32 to vector<1x768xf32>
    %div3A_23 = arith.divf %add3A, %div3A : vector<1x768xf32>
    %swap3A = arith.constant 0 : index
    %swap3A_24 = arith.constant 0 : index
    %swap3A_25 = vector.load %arg4[%swap3A, %swap3A_24] : memref<1x768xf32, #tpu.memory_space<vmem>>, vector<1x768xf32>
    tpu.vector_store %arg4[%swap3A, %swap3A_24], %div3A_23 {strides = array<i32>} : memref<1x768xf32, #tpu.memory_space<vmem>>, vector<1x768xf32>,
    return
  }
}

module attributes {stable_mosaic.version = 14 : i64} {
  func.func @_sub_body(%arg0: i32, %arg1: memref<2048x768xf32, #tpu.memory_space<vmem>>, %arg2: memref<1x768xf32, #tpu.memory_space<vmem>>, %arg3: memref<2048x768xf32, #tpu.memory_space<vmem>>) attributes {dimension_semantics = [#tpu.dimension_semantics<arbitrary>], iteration_bounds = array<i64: 16>, scalar_prefetch = 0 : i64, scratch_operands = 0 : i64, tpu.core_type = #tpu.core_type<tc>, window_params = [{transform_indices = @transform_0, window_bounds = array<i64: 2048, 768>}, {pipeline_mode = #tpu.pipeline_mode<synchronous>, transform_indices = @transform_1, window_bounds = array<i64: 1, 768>}, {transform_indices = @transform_2, window_bounds = array<i64: 2048, 768>}]} {
    %get3A = arith.constant 0 : index
    %get3A_0 = arith.constant 0 : index
    %get3A_1 = vector.load %arg1[%get3A, %get3A_0] : memref<2048x768xf32, #tpu.memory_space<vmem>>, vector<2048x768xf32>
    %get3A_2 = arith.constant 0 : index
    %get3A_3 = arith.constant 0 : index
    %get3A_4 = vector.load %arg2[%get3A_2, %get3A_3] : memref<1x768xf32, #tpu.memory_space<vmem>>, vector<1x768xf32>
    %sub3A = vector.broadcast %get3A_4 : vector<1x768xf32> to vector<2048x768xf32>
    %sub3A_5 = arith.subf %get3A_1, %sub3A : vector<2048x768xf32>
    %swap3A = arith.constant 0 : index
    %swap3A_6 = arith.constant 0 : index
    %swap3A_7 = vector.load %arg3[%swap3A, %swap3A_6] : memref<2048x768xf32, #tpu.memory_space<vmem>>, vector<2048x768xf32>
    tpu.vector_store %arg3[%swap3A, %swap3A_6], %sub3A_5 {strides = array<i32>} : memref<2048x768xf32, #tpu.memory_space<vmem>>, vector<2048x768xf32>,
    return
  }
  func.func @transform_0(%arg0: i32) -> (i32, i32) {
    %c0_i32 = arith.constant 0 : i32
    %c0_i32_0 = arith.constant 0 : i32
    return %arg0, %c0_i32 : i32, i32
  }
  func.func @transform_1(%arg0: i32) -> (i32, i32) {
    %c0_i32 = arith.constant 0 : i32
    %c0_i32_0 = arith.constant 0 : i32
    %c0_i32_1 = arith.constant 0 : i32
    return %c0_i32, %c0_i32_0 : i32, i32
  }
  func.func @transform_2(%arg0: i32) -> (i32, i32) {
    %c0_i32 = arith.constant 0 : i32
    %c0_i32_0 = arith.constant 0 : i32
    return %arg0, %c0_i32 : i32, i32
  }
}

</mosaic_0001>

<sc_bundles>
// kernel: _mean_shift.4.cloned.1.call-start
scs
__scs_entry_jumppad:
0x0: {  	(pc) =	sbr.rel $0x88, $3  }
0x1: {  	(tag) =	ssettag $0x0;
	lr =	simm.s32 $0x1  }
0x2: {  	[smem:$0x3F9E] =	sst lr;
	_ =	strace $0xD0000000  }
0x3: {  	_ = 	snop  }
0x4: {  	_ = 	snop  }
0x5: {  	_ = 	snop  }
0x6: {  	_ = 	snop  }
0x7: {  	_ = 	snop  }
__scs_overlays_trampoline_lowered:
0x8: {  	[smem:$0x3FAD] =	sst s0  }
0x9: {  	[smem:$0x3FAE] =	sst s1  }
0xa: {  	[smem:$0x3FAF] =	sst s2  }
0xb: {  	[smem:$0x3FB0] =	sst s3  }
0xc: {  	[smem:$0x3FB1] =	sst s4  }
0xd: {  	[smem:$0x3FB2] =	sst s5  }
0xe: {  	[smem:$0x3FB3] =	sst s6  }
0xf: {  	[smem:$0x3FB4] =	sst s7  }
0x10: {  	[smem:$0x3FB5] =	sst s8  }
0x11: {  	[smem:$0x3FB6] =	sst s9;
	s0 =	simm.s32 @!p0 $0x0  }
0x12: {  	s1 =	sld [smem:$0x3F9C];
	s0 =	simm.s32 @p0 $0x1  }
0x13: {  	[smem:$0x3FB7] =	sst s0;
	s0 =	simm.s32 @!p1 $0x0  }
0x14: {  	s2 =	sld [smem:$0x3F9B];
	s0 =	simm.s32 @p1 $0x1  }
0x15: {  	[smem:$0x3FB8] =	sst s0;
	s0 =	simm.s32 @!p2 $0x0  }
0x16: {  	s3 =	sld [smem:$0x3FDB];
	s0 =	simm.s32 @p2 $0x1  }
0x17: {  	s4 =	simm.s32 $0x1BF5;
	[smem:$0x3FBA] =	sst s0  }
0x18: {  	s0 =	sld [smem:$0x3F9D];
	_ =	swait.ge [sflag:s4], $0x0  }
0x19: {  	s7 =	sld [smem:$0x3F9E]  }
0x1a: {  	s8 =	sadd.s32 $0xFFFFE003, lr  }
0x1b: {  	s9 =	sadd.s32 $0xFFFFFEF7, lr;
	s5 =	simm.s32 $0xFFFFFFFF;
	p2 =	slt.u32 s8, $0xFFFFF086  }
0x1c: {  	p1 =	slt.u32 s9, $0xF7A;
	s5 =	simm.s32 @!p2 $0x0  }
0x1d: {  	s5 =	simm.s32 @p1 $0x1;
	p0 =	seq.s32 s7, s2  }
0x1e: {  	s7 =	smul.u32 @!p0 $0xF7A, s2;
	p2 =	seq.s32 @!p0 s5, $0x0  }
0x1f: {  	s9 =	smul.u32 $0xF7A, s1;
	s8 =	simm.s32 @!p0 $0x1BF5;
	p2 =	por !p2, p0  }
0x20: {  	[sflag:s8] =	ssyncset.s32 @!p0 $0xFFFFF086;
	s6 =	sadd.s32 @!p0 s3, s7;
	s7 =	simm.s32 @!p0 $0x108  }
0x21: {  	s3 =	sadd.s32 s3, s9;
	s6 =	sadd.s32 @!p0 $0x88, s6;
	s7 =	simm.s32 @p2 $0x1082  }
0x22: {  	[simem:s7], [sflag:s8] =	dma.local @!p0 [hbm:s6], $0xF7A  }
0x23: {  	s9 =	sor.u32 $0xD0000000, s2;
	s6 =	simm.s32 $0x108;
	_ =	swait.ge @!p0 [sflag:s8], $0x0  }
0x24: {  	s3 =	sadd.s32 $0x88, s3;
	s6 =	simm.s32 @!p1 $0x1082;
	[sflag:s4] =	ssyncset.s32 $0xFFFFF086  }
0x25: {  	[simem:s6], [sflag:s4] =	dma.local [hbm:s3], $0xF7A  }
0x26: {  	[smem:$0x3F9E] =	sst s1;
	(tag) =	ssettag s2;
	_ =	strace s9  }
0x27: {  	s1 =	sld [smem:$0x3FAE]  }
0x28: {  	s2 =	sld [smem:$0x3FAF]  }
0x29: {  	s4 =	sld [smem:$0x3FB1]  }
0x2a: {  	p0 =	seq.s32 s5, $0x0;
	s5 =	sld [smem:$0x3FB2]  }
0x2b: {  	s6 =	sld [smem:$0x3FB3]  }
0x2c: {  	s7 =	sld [smem:$0x3FB4]  }
0x2d: {  	s3 =	simm.s32 $0x108;
	s8 =	sld [smem:$0x3FB5]  }
0x2e: {  	s3 =	simm.s32 @!p0 $0x1082;
	s9 =	sld [smem:$0x3FB6]  }
0x2f: {  	lr =	sadd.s32 s0, s3;
	s0 =	sld [smem:$0x3FAD]  }
0x30: {  	s3 =	sld [smem:$0x3FB0]  }
0x31: {  	[smem:$0x3FB9] =	sst s10  }
0x32: {  	s10 =	sld [smem:$0x3FB7];
	_ =	sdelay $0x3  }
0x33: {  	p0 =	seq.s32 s10, $0x1;
	s10 =	sld [smem:$0x3FB9];
	_ =	sdelay $0x3  }
0x34: {  	[smem:$0x3FB9] =	sst s10  }
0x35: {  	s10 =	sld [smem:$0x3FB8];
	_ =	sdelay $0x3  }
0x36: {  	p1 =	seq.s32 s10, $0x1;
	s10 =	sld [smem:$0x3FB9];
	_ =	sdelay $0x3  }
0x37: {  	[smem:$0x3FB9] =	sst s10  }
0x38: {  	s10 =	sld [smem:$0x3FBA]  }
0x39: {  	_ = 	snop;
	(pc) =	sbr.ind lr, $3  }
0x3a: {  	_ = 	snop  }
0x3b: {  	_ = 	snop  }
0x3c: {  	p2 =	seq.s32 s10, $0x1;
	s10 =	sld [smem:$0x3FB9]  }
0x3d: {  	_ =	shalt  }
0x3e: {  	_ =	shalt  }
0x3f: {  	_ =	shalt  }
0x40: {  	_ =	shalt  }
0x41: {  	_ =	shalt  }
0x42: {  	_ =	shalt  }
0x43: {  	_ =	shalt  }
0x44: {  	_ =	shalt  }
0x45: {  	_ =	shalt  }
0x46: {  	_ =	shalt  }
0x47: {  	_ =	shalt  }
0x48: {  	_ =	shalt  }
0x49: {  	_ =	shalt  }
0x4a: {  	_ =	shalt  }
0x4b: {  	_ =	shalt  }
0x4c: {  	_ =	shalt  }
0x4d: {  	_ =	shalt  }
0x4e: {  	_ =	shalt  }
0x4f: {  	_ =	shalt  }
0x50: {  	_ =	shalt  }
0x51: {  	_ =	shalt  }
0x52: {  	_ =	shalt  }
0x53: {  	_ =	shalt  }
0x54: {  	_ =	shalt  }
0x55: {  	_ =	shalt  }
0x56: {  	_ =	shalt  }
0x57: {  	_ =	shalt  }
0x58: {  	_ =	shalt  }
0x59: {  	_ =	shalt  }
0x5a: {  	_ =	shalt  }
0x5b: {  	_ =	shalt  }
0x5c: {  	_ =	shalt  }
0x5d: {  	_ =	shalt  }
0x5e: {  	_ =	shalt  }
0x5f: {  	_ =	shalt  }
0x60: {  	_ =	shalt  }
0x61: {  	_ =	shalt  }
0x62: {  	_ =	shalt  }
0x63: {  	_ =	shalt  }
0x64: {  	_ =	shalt  }
0x65: {  	_ =	shalt  }
0x66: {  	_ =	shalt  }
0x67: {  	_ =	shalt  }
0x68: {  	_ =	shalt  }
0x69: {  	_ =	shalt  }
0x6a: {  	_ =	shalt  }
0x6b: {  	_ =	shalt  }
0x6c: {  	_ =	shalt  }
0x6d: {  	_ =	shalt  }
0x6e: {  	_ =	shalt  }
0x6f: {  	_ =	shalt  }
0x70: {  	_ =	shalt  }
0x71: {  	_ =	shalt  }
0x72: {  	_ =	shalt  }
0x73: {  	_ =	shalt  }
0x74: {  	_ =	shalt  }
0x75: {  	_ =	shalt  }
0x76: {  	_ =	shalt  }
0x77: {  	_ =	shalt  }
0x78: {  	_ =	shalt  }
0x79: {  	_ =	shalt  }
0x7a: {  	_ =	shalt  }
0x7b: {  	_ =	shalt  }
0x7c: {  	_ =	shalt  }
0x7d: {  	_ =	shalt  }
0x7e: {  	_ =	shalt  }
0x7f: {  	_ =	shalt  }
0x80: {  	_ =	shalt  }
0x81: {  	_ =	shalt  }
0x82: {  	_ =	shalt  }
0x83: {  	_ =	shalt  }
0x84: {  	_ =	shalt  }
0x85: {  	_ =	shalt  }
0x86: {  	_ =	shalt  }
0x87: {  	_ =	shalt  }
.Lfunc_end0:
.L_simem_size_0:
called_computation_lowered:
.L_overlay_start_0:
0x88: {  	s2 =	sld [smem:$0x3FD9]  }
0x89: {  	s3 =	sld [smem:$0x3FFE];
	_ =	sdelay $0x1  }
0x8a: {  	s1 =	srdreg.scid  }
0x8b: {  	s0 =	sand.u32 $0x1, s1  }
0x8c: {  	s17 =	sshll.u32 s0, $0xA;
	s2 =	sadd.s32 s3, s2  }
0x8d: {  	s2 =	sadd.s32 s2, s17  }
0x8e: {  	[smem:$0x3FC5] =	sst s2  }
0x8f: {  	_ = 	snop  }
0x90: {  	s2 =	sld [smem:$0x3FD0];
	(tm) =	ssettm $0x1  }
0x91: {  	s18 =	sld [smem:$0x3FFB];
	_ =	sdelay $0x3  }
0x92: {  	_ =	strace s18  }
0x93: {  	s3 =	sld [smem:$0x3FFC];
	_ =	sdelay $0x3  }
0x94: {  	_ =	strace s3  }
0x95: {  	s3 =	sld [smem:$0x3FFD];
	_ =	sdelay $0x3  }
0x96: {  	_ =	strace s3  }
0x97: {  	_ =	strace $0x8FFFFFFF  }
0x98: {  	s19 =	sld [smem:$0x3FDB];
	_ =	sdelay $0x1  }
0x99: {  	s4 =	simm.s32 $_scs_section_size  }
0x9a: {  	s5 =	simm.s32 $_size__tile_overlayer_lowered;
	s6 =	simm.s32 $_tile_overlayer_lowered  }
0x9b: {  	s22 =	simm.s32 $0x1BFF;
	s21 =	sshll.u32 s6, $0x1;
	s3 =	sadd.s32 s4, s19  }
0x9c: {  	s7 =	simm.s32 $0x0;
	s20 =	sshll.u32 s5, $0x1;
	s5 =	sadd.s32 s21, s3  }
0x9d: {  	[timem:s7], [sflag:s22] =	dma.local [hbm:s5], s20  }
0x9e: {  	_ =	swait.ge [sflag:s22], s20  }
0x9f: {  	s4 =	ssub.s32 $0x0, s20;
	[sflag:s22] =	ssyncset.done $0x0  }
0xa0: {  	[sflag:s22] =	ssyncadd.s32 s4;
	_ =	sdelay $0x1  }
0xa1: {  	s23 =	simm.s32 $0x1B8B  }
0xa2: {  	_ =	swait.ge [sflag:s23], $0x1  }
0xa3: {  	[sflag:s23] =	ssyncset.done $0x0  }
0xa4: {  	s25 =	simm.s32 $0x1B8E;
	s24 =	sld [smem:$0x3FFE];
	[sflag:s23] =	ssyncadd.s32 $0xFFFFFFFF  }
0xa5: {  	s26 =	simm.s32 $execute0_lowered;
	[smem:$0x3FD2] =	sst s25  }
0xa6: {  	s5 =	sshll.u32 s26, $0x1;
	_ =	strace $0x80000046;
	[dreg:$0x1] =	wrdreg $0xFFFFFFFF  }
0xa7: {  	s28 =	simm.s32 $_size_execute0_lowered;
	s3 =	sadd.s32 s3, s5;
	[dreg:$0x0] =	wrdreg $0x0  }
0xa8: {  	s5 =	sshll.u32 s28, $0x1;
	[dreg:$0x2] =	wrdreg s3  }
0xa9: {  	[dreg:$0x3] =	wrdreg s5  }
0xaa: {  	[dreg:$0x4] =	wrdreg $0xC0  }
0xab: {  	_ =	task [dreg:s7], $0x5FFFF  }
0xac: {  	[dreg:$0x1] =	wrdreg $0xFFFFFFFF  }
0xad: {  	[dreg:$0x0] =	wrdreg $0x60  }
0xae: {  	[dreg:$0x2] =	wrdreg s2  }
0xaf: {  	[dreg:$0x3] =	wrdreg s24  }
0xb0: {  	[dreg:$0x4] =	wrdreg $0x9  }
0xb1: {  	_ =	task.clear_ibuf [dreg:s7], $0x5FFFF;
	_ =	strace $0x90000046  }
0xb2: {  	s29 =	simm.s32 $0x9;
	_ =	strace $0x80000048  }
0xb3: {  	_ =	swait.ge [sflag:s29], $0x1  }
0xb4: {  	[sflag:s29] =	ssyncadd.s32 $0xFFFFFFFF  }
0xb5: {  	_ =	strace $0x90000048  }
0xb6: {  	_ =	sfence  }
0xb7: {  	s30 =	sld [smem:$0x0];
	_ =	sdelay $0x2  }
0xb8: {  	s31 =	sshll.u32 s1, $0xD;
	s1 =	sshrl.u32 s1, $0x2  }
0xb9: {  	s3 =	sand.u32 $0x4000, s31;
	s1 =	sadd.s32 s1, s30  }
0xba: {  	s0 =	sor.u32 s3, s0;
	s1 =	sshll.u32 s1, $0x11  }
0xbb: {  	s0 =	sor.u32 s1, s0  }
0xbc: {  	s0 =	sadd.s32 $0x8F2B, s0  }
0xbd: {  	[sflag:s0] =	ssyncadd.remote.s32 $0x1  }
0xbe: {  	_ =	sfence.sel $0xFFFF  }
0xbf: {  	[dreg:$0x0] =	wrdreg $0xFFFFFFFF;
	(pc) =	sbr.abs _section_cstart, $3  }
0xc0: {  	[dreg:$0x1] =	wrdreg $0xFFFFFFFF  }
0xc1: {  	_ =	task.clear_ibuf [dreg:s7], $0x2FFFF;
	_ =	strace $0x9FFFFFFF  }
0xc2: {  	(tm) =	ssettm $0x7FFFFFFF  }
0xc3: {  	_ =	shalt  }
tec
execute0_lowered:
.L_overlay_start_1:
0x0: {  	(tag) =	ssettag $0x1  }
0x1: {  	s1 =	stileid.u32  }
0x2: {  	p0 =	sgt.u32 s1, $0xB  }
.Ltmp0:
0x3: {  	_ = 	snop;
	(pc) =	sbr.rel @p0 .LBB2_23-.Ltmp0, $4  }
0x4: {  	s2 =	rddreg [dreg:$0x0]  }
0x5: {  	s4 =	rddreg [dreg:$0x1];
	s3 =	simm.s32 $0x0  }
0x6: {  	[smem:$0x7FF] =	sst s3  }
0x7: {  	s0 =	rddreg [dreg:$0x2];
	_ =	strace $0x80000047  }
0x8: {  	s5 =	srdreg.scid;
	s6 =	sshll.u32 s1, $0x1  }
0x9: {  	s12 =	simm.s32 $0x300;
	s13 =	simm.s32 $0x4000;
	s14 =	simm.s32 $0x1  }
0xa: {  	s15 =	simm.s32 $0x8000;
	s16 =	simm.s32 $0x2;
	s17 =	simm.s32 $0x14030  }
0xb: {  	s18 =	simm.s32 $0x14050;
	s19 =	simm.s32 $0x14070;
	s5 =	sand.u32 $0x1, s5  }
0xc: {  	s20 =	simm.s32 $0x10030;
	s21 =	simm.s32 $0x3;
	s6 =	sor.u32 s5, s6  }
0xd: {  	s22 =	simm.s32 $0x0;
	s10 =	ssub.s32 $0x2, s5;
	s9 =	sshll.u32 s6, $0x2  }
0xe: {  	v0 =	vlaneseq.u32;
	s6 =	sshll.u32 s6, $0x5;
	s11 =	sshrl.u32 s10, $0x1;
	s8 =	sadd.s32 s9, s4  }
0xf: {  	v1 =	vmul.u32 $0x401, v0;
	s4 =	sor.u32 $0x60000, s6;
	s5 =	sor.u32 $0xC0000, s6;
	s10 =	ssub.s32 s10, s11  }
0x10: {  	v2 =	vimm.s32 $0x0;
	s9 =	sadd.s32 s2, s9;
	s11 =	simm.s32 $0x20;
	s6 =	sadd.s32 $0xE00, s8  }
0x11: {  	v3 =	vimm.f32 $+Inf;
	v4 =	vimm.s32 $0x1;
	v5 =	vadd.s32 $0x4010, v1;
	s7 =	sadd.s32 $0xCE00, s8;
	s8 =	sadd.s32 $0xC00, s8;
	s10 =	smax.u32 s10, $0x1  }
.LBB2_2:
0x12: {  	s23 =	simm.s32 $0x40;
	s24 =	simm.s32 $0x0  }
.LBB2_3:
0x13: {  	p0 =	sne.s32 s23, $0x20080;
	[tilespmem:s24+$0x8000] =	vst v2;
	s24 =	smov.u32 s23;
	s23 =	sadd.s32 $0x40, s23  }
.Ltmp1:
0x14: {  	(pc) =	sbr.rel @p0 .LBB2_3-.Ltmp1, $2  }
0x15: {  	_ =	sdelay $0x2  }
0x16: {  	s24 =	sshra.s32 s24, $0x2  }
0x17: {  	[tilespmem:s24+$0x8000] =	vst v2;
	s23 =	simm.s32 $0x80;
	s24 =	simm.s32 $0x0  }
.LBB2_5:
0x18: {  	p0 =	sne.s32 s23, $0xFF80;
	[tilespmem:s24+$0x10030] =	vst v3;
	s25 =	smov.u32 s23;
	s23 =	sadd.s32 $0x80, s23  }
.Ltmp2:
0x19: {  	[tilespmem:s24+$0x10040] =	vst v3;
	(pc) =	sbr.rel @p0 .LBB2_5-.Ltmp2, $2  }
0x1a: {  	_ =	sdelay $0x2  }
0x1b: {  	s24 =	sshra.s32 s25, $0x2  }
0x1c: {  	[tilespmem:s24+$0x10030] =	vst v3  }
0x1d: {  	[tilespmem:s24+$0x10040] =	vst v3;
	s23 =	simm.s32 $0x0  }
0x1e: {  	[tilespmem:s23], [sflag:$0x1] =	stream.strided.gather [hbm4b:s9+s11], $0x4000, s12, s11, $0x38;
	[tilespmem:$0x14090] =	vst v63  }
.LBB2_7:
0x1f: {  	s24 =	smul.u32 $0xC0000, s23;
	_ =	sdelay $0x1  }
0x20: {  	s25 =	sadd.s32 s4, s24  }
0x21: {  	s25 =	sshrl.u32 s25, $0x3  }
0x22: {  	s25 =	sadd.s32 s2, s25  }
0x23: {  	[tilespmem:s13], [sflag:$0x2] =	stream.strided.gather [hbm4b:s25+s11], $0x4000, s12, s11, $0x38;
	[tilespmem:$0x14090] =	vst v63  }
0x24: {  	_ =	swait.ge [sflag:s14], $0x4000  }
0x25: {  	[sflag:s14] =	ssyncset.done $0x0  }
0x26: {  	s31 =	simm.s32 $0x100;
	[sflag:s14] =	ssyncadd.s32 $0xFFFFC000  }
0x27: {  	v6 =	vld [tilespmem:s31+$0xE0]  }
0x28: {  	v7 =	vld [tilespmem:s31+$0xFFFFFF20]  }
0x29: {  	v8 =	vld [tilespmem:s31+$0xFFFFFF40]  }
0x2a: {  	v9 =	vld [tilespmem:s31+$0xFFFFFF60]  }
0x2b: {  	v10 =	vld [tilespmem:s31+$0xFFFFFF80]  }
0x2c: {  	v20 =	vld [tilespmem:s31+$0x20]  }
0x2d: {  	s26 =	simm.s32 $0x300;
	v21 =	vld [tilespmem:s31+$0x40]  }
0x2e: {  	v26 =	vld [tilespmem:s26+$0xFFFFFF40]  }
0x2f: {  	v11 =	vld [tilespmem:s31+$0xFFFFFFA0]  }
0x30: {  	v14 =	vld [tilespmem:s31+$0xFFFFFFC0]  }
0x31: {  	v16 =	vld [tilespmem:s31+$0xFFFFFFE0];
	v12 =	vshra.s32 v6, $0x1F;
	v13 =	vshra.s32 v7, $0x1F;
	v15 =	vshra.s32 v8, $0x1F  }
0x32: {  	v17 =	vld [tilespmem:s31+$0x0];
	v18 =	vshra.s32 v10, $0x1F;
	v23 =	vshra.s32 v20, $0x1F;
	v24 =	vshra.s32 v21, $0x1F  }
0x33: {  	v19 =	vld [tilespmem:s31+$0xFFFFFF00];
	v34 =	vshra.s32 v26, $0x1F;
	v12 =	vor.u32 $0x80000000, v12;
	v13 =	vor.u32 $0x80000000, v13  }
0x34: {  	v22 =	vld [tilespmem:s31+$0x60];
	v23 =	vor.u32 $0x80000000, v23;
	v34 =	vor.u32 $0x80000000, v34;
	v6 =	vxor.u32 v6, v12  }
0x35: {  	v25 =	vld [tilespmem:s31+$0xC0];
	v12 =	vor.u32 $0x80000000, v15;
	v15 =	vshra.s32 v9, $0x1F;
	v7 =	vxor.u32 v7, v13  }
0x36: {  	v28 =	vld [tilespmem:s26+$0xFFFFFF60];
	v13 =	vor.u32 $0x80000000, v18;
	v18 =	vshra.s32 v11, $0x1F;
	v20 =	vxor.u32 v20, v23  }
0x37: {  	v29 =	vld [tilespmem:s26+$0xFFFFFFA0];
	v26 =	vxor.u32 v26, v34;
	v6 =	vshrl.u32 v6, $0x16;
	v15 =	vor.u32 $0x80000000, v15  }
0x38: {  	v32 =	vld [tilespmem:s26+$0xFFFFFFE0];
	v8 =	vxor.u32 v8, v12;
	v12 =	vor.u32 $0x80000000, v18;
	v18 =	vshra.s32 v14, $0x1F  }
0x39: {  	v35 =	vld [tilespmem:s26+$0x20];
	v10 =	vxor.u32 v10, v13;
	v7 =	vshrl.u32 v7, $0x16;
	v26 =	vshrl.u32 v26, $0x16  }
0x3a: {  	v37 =	vld [tilespmem:s26+$0x40];
	v6 =	vadd.s32 v1, v6;
	v9 =	vxor.u32 v9, v15;
	v15 =	vor.u32 $0x80000000, v18  }
0x3b: {  	v58 =	vld [tilespmem:s26+$0xFFFFFF00];
	v18 =	vshra.s32 v16, $0x1F;
	v11 =	vxor.u32 v11, v12;
	v8 =	vshrl.u32 v8, $0x16  }
0x3c: {  	v46 =	vld [tilespmem:s26+$0x80];
	v7 =	vadd.s32 v1, v7;
	v13 =	vor.u32 $0x80000000, v18;
	v18 =	vshra.s32 v17, $0x1F  }
0x3d: {  	v23 =	vld [tilespmem:s26+$0xE0];
	v10 =	vshrl.u32 v10, $0x16;
	v26 =	vadd.s32 v1, v26;
	v12 =	vor.u32 $0x80000000, v18  }
0x3e: {  	v18 =	vshra.s32 v19, $0x1F;
	v13 =	vxor.u32 v16, v13;
	v16 =	vor.u32 $0x80000000, v24;
	v24 =	vld [tilespmem:s31+$0xA0]  }
0x3f: {  	v14 =	vxor.u32 v14, v15;
	v8 =	vadd.s32 v1, v8;
	v15 =	vor.u32 $0x80000000, v18;
	v18 =	vld [tilespmem:s31+$0x80]  }
0x40: {  	v9 =	vshrl.u32 v9, $0x16;
	v10 =	vadd.s32 v1, v10;
	[tilespmem:v6+s15+$0x0] =	vst.idx.add.s32.msk $0xffff, v4  }
0x41: {  	v36 =	vshra.s32 v28, $0x1F;
	v11 =	vshrl.u32 v11, $0x16;
	v9 =	vadd.s32 v1, v9;
	[tilespmem:v7+s15+$0x0] =	vst.idx.add.s32.msk $0xffff, v4  }
0x42: {  	v55 =	vshra.s32 v29, $0x1F;
	v39 =	vshra.s32 v32, $0x1F;
	v11 =	vadd.s32 v1, v11;
	[tilespmem:v26+s15+$0x0] =	vst.idx.add.s32.msk $0xffff, v4  }
0x43: {  	v14 =	vshrl.u32 v14, $0x16;
	v12 =	vxor.u32 v17, v12;
	v15 =	vxor.u32 v19, v15;
	v17 =	vld [tilespmem:s31+$0xF0]  }
0x44: {  	v60 =	vshra.s32 v35, $0x1F;
	v14 =	vadd.s32 v1, v14;
	v15 =	vshrl.u32 v15, $0x16;
	[tilespmem:v8+s15+$0x0] =	vst.idx.add.s32.msk $0xffff, v4  }
0x45: {  	v62 =	vshra.s32 v37, $0x1F;
	v12 =	vshrl.u32 v12, $0x16;
	v15 =	vadd.s32 v1, v15;
	[tilespmem:v10+s15+$0x0] =	vst.idx.add.s32.msk $0xffff, v4  }
0x46: {  	v7 =	vxor.u32 v21, v16;
	v12 =	vadd.s32 v1, v12;
	v8 =	vshrl.u32 v20, $0x16;
	[tilespmem:v9+s15+$0x0] =	vst.idx.add.s32.msk $0xffff, v4  }
0x47: {  	v19 =	vshra.s32 v22, $0x1F;
	v7 =	vshrl.u32 v7, $0x16;
	v8 =	vadd.s32 v1, v8;
	[tilespmem:v11+s15+$0x0] =	vst.idx.add.s32.msk $0xffff, v4  }
0x48: {  	v44 =	vshra.s32 v58, $0x1F;
	v6 =	vor.u32 $0x80000000, v19;
	v7 =	vadd.s32 v1, v7;
	v11 =	vld [tilespmem:s31+$0xFFFFFF90]  }
0x49: {  	v53 =	vshra.s32 v46, $0x1F;
	v36 =	vor.u32 $0x80000000, v36;
	v6 =	vxor.u32 v22, v6;
	[tilespmem:v14+s15+$0x0] =	vst.idx.add.s32.msk $0xffff, v4  }
0x4a: {  	v39 =	vor.u32 $0x80000000, v39;
	v6 =	vshrl.u32 v6, $0x16;
	[tilespmem:v15+s15+$0x0] =	vst.idx.add.s32.msk $0xffff, v4;
	v15 =	vshra.s32 v24, $0x1F  }
0x4b: {  	v19 =	vshra.s32 v18, $0x1F;
	v6 =	vadd.s32 v1, v6;
	[tilespmem:v12+s15+$0x0] =	vst.idx.add.s32.msk $0xffff, v4;
	v9 =	vor.u32 $0x80000000, v15  }
0x4c: {  	v61 =	vor.u32 $0x80000000, v60;
	v19 =	vor.u32 $0x80000000, v19;
	[tilespmem:v8+s15+$0x0] =	vst.idx.add.s32.msk $0xffff, v4;
	v9 =	vxor.u32 v24, v9  }
0x4d: {  	v10 =	vxor.u32 v18, v19;
	v12 =	vshra.s32 v25, $0x1F;
	[tilespmem:v7+s15+$0x0] =	vst.idx.add.s32.msk $0xffff, v4;
	v9 =	vshrl.u32 v9, $0x16  }
0x4e: {  	v10 =	vshrl.u32 v10, $0x16;
	v12 =	vor.u32 $0x80000000, v12;
	v7 =	vld [tilespmem:s31+$0xFFFFFF30];
	v9 =	vadd.s32 v1, v9  }
0x4f: {  	v45 =	vor.u32 $0x80000000, v44;
	v10 =	vadd.s32 v1, v10;
	v12 =	vxor.u32 v25, v12;
	v25 =	vld [tilespmem:s26+$0xFFFFFF20]  }
0x50: {  	v28 =	vxor.u32 v28, v36;
	v32 =	vxor.u32 v32, v39;
	v13 =	vshrl.u32 v13, $0x16;
	[tilespmem:v6+s15+$0x0] =	vst.idx.add.s32.msk $0xffff, v4  }
0x51: {  	v36 =	vxor.u32 v58, v45;
	v39 =	vor.u32 $0x80000000, v53;
	v13 =	vadd.s32 v1, v13;
	v6 =	vld [tilespmem:s31+$0xFFFFFF10]  }
0x52: {  	v48 =	vshrl.u32 v36, $0x16;
	v28 =	vshrl.u32 v28, $0x16;
	v32 =	vshrl.u32 v32, $0x16;
	v8 =	vld [tilespmem:s31+$0xFFFFFF50]  }
0x53: {  	v28 =	vadd.s32 v1, v28;
	v27 =	vshra.s32 v23, $0x1F;
	[tilespmem:v9+s15+$0x0] =	vst.idx.add.s32.msk $0xffff, v4;
	v9 =	vshra.s32 v17, $0x1F  }
0x54: {  	v26 =	vxor.u32 v46, v39;
	[tilespmem:v10+s15+$0x0] =	vst.idx.add.s32.msk $0xffff, v4;
	v33 =	vshra.s32 v25, $0x1F;
	v9 =	vor.u32 $0x80000000, v9  }
0x55: {  	v26 =	vshrl.u32 v26, $0x16;
	v10 =	vld [tilespmem:s31+$0xFFFFFF70];
	v33 =	vor.u32 $0x80000000, v33;
	v9 =	vxor.u32 v17, v9  }
0x56: {  	[tilespmem:v13+s15+$0x0] =	vst.idx.add.s32.msk $0xffff, v4;
	v14 =	vshra.s32 v6, $0x1F;
	v25 =	vxor.u32 v25, v33;
	v9 =	vshrl.u32 v9, $0x16  }
0x57: {  	v13 =	vld [tilespmem:s31+$0xFFFFFFB0];
	v33 =	vor.u32 $0x80000000, v55;
	v18 =	vadd.s32 v5, v9;
	v9 =	vshrl.u32 v12, $0x16  }
0x58: {  	v15 =	vld [tilespmem:s31+$0xFFFFFFD0];
	v12 =	vor.u32 $0x80000000, v14;
	v20 =	vadd.s32 v1, v9;
	v9 =	vshra.s32 v7, $0x1F  }
0x59: {  	v17 =	vld [tilespmem:s31+$0xFFFFFFF0];
	v6 =	vxor.u32 v6, v12;
	v12 =	vshra.s32 v8, $0x1F;
	v9 =	vor.u32 $0x80000000, v9  }
0x5a: {  	v14 =	vshra.s32 v10, $0x1F;
	v7 =	vxor.u32 v7, v9;
	v9 =	vor.u32 $0x80000000, v12  }
0x5b: {  	v19 =	vld [tilespmem:s31+$0x10];
	v12 =	vor.u32 $0x80000000, v14;
	v14 =	vshra.s32 v11, $0x1F;
	v9 =	vxor.u32 v8, v9  }
0x5c: {  	v49 =	vld [tilespmem:s26+$0xA0];
	v8 =	vxor.u32 v10, v12;
	v10 =	vor.u32 $0x80000000, v14;
	v12 =	vshra.s32 v13, $0x1F  }
0x5d: {  	v21 =	vld [tilespmem:s31+$0x30];
	v14 =	vshra.s32 v15, $0x1F;
	v10 =	vxor.u32 v11, v10;
	v11 =	vor.u32 $0x80000000, v12  }
0x5e: {  	v22 =	vld [tilespmem:s31+$0x50];
	v12 =	vor.u32 $0x80000000, v14;
	v11 =	vxor.u32 v13, v11;
	v13 =	vshra.s32 v17, $0x1F  }
0x5f: {  	v52 =	vld [tilespmem:s26+$0xC0];
	v29 =	vxor.u32 v29, v33;
	v12 =	vxor.u32 v15, v12;
	v13 =	vor.u32 $0x80000000, v13  }
0x60: {  	[tilespmem:v28+s15+$0x0] =	vst.idx.add.s32.msk $0xffff, v4;
	v15 =	vshra.s32 v19, $0x1F;
	v13 =	vxor.u32 v17, v13;
	v17 =	vor.u32 $0x80000000, v27  }
0x61: {  	v16 =	vld [tilespmem:s31+$0x90];
	v33 =	vadd.s32 v1, v48;
	v15 =	vor.u32 $0x80000000, v15;
	v17 =	vxor.u32 v23, v17  }
0x62: {  	v24 =	vld [tilespmem:s31+$0x70];
	v27 =	vshra.s32 v21, $0x1F;
	v15 =	vxor.u32 v19, v15;
	v30 =	vshrl.u32 v17, $0x16  }
0x63: {  	v19 =	vld [tilespmem:s26+$0xFFFFFF80];
	v23 =	vor.u32 $0x80000000, v27;
	v27 =	vshra.s32 v22, $0x1F;
	v30 =	vadd.s32 v1, v30  }
0x64: {  	v25 =	vshrl.u32 v25, $0x16;
	v17 =	vxor.u32 v21, v23;
	v23 =	vld [tilespmem:s26+$0xFFFFFFC0];
	v27 =	vor.u32 $0x80000000, v27  }
0x65: {  	v25 =	vadd.s32 v1, v25;
	v29 =	vshrl.u32 v29, $0x16;
	v22 =	vxor.u32 v22, v27;
	v27 =	vld [tilespmem:s26+$0x0]  }
0x66: {  	v29 =	vadd.s32 v1, v29;
	v31 =	vshra.s32 v16, $0x1F;
	[tilespmem:v20+s15+$0x0] =	vst.idx.add.s32.msk $0xffff, v4;
	v20 =	vxor.u32 v35, v61  }
0x67: {  	[tilespmem:v33+s15+$0x0] =	vst.idx.add.s32.msk $0xffff, v4;
	v6 =	vshrl.u32 v6, $0x16;
	v7 =	vshrl.u32 v7, $0x16;
	v20 =	vshrl.u32 v20, $0x16  }
0x68: {  	v9 =	vshrl.u32 v9, $0x16;
	v11 =	vshrl.u32 v11, $0x16;
	v20 =	vadd.s32 v1, v20;
	[tilespmem:v30+s15+$0x0] =	vst.idx.add.s32.msk $0xffff, v4  }
0x69: {  	v21 =	vshra.s32 v24, $0x1F;
	v38 =	vshra.s32 v19, $0x1F;
	v57 =	vshra.s32 v23, $0x1F;
	v56 =	vld [tilespmem:s26+$0xF0]  }
0x6a: {  	[tilespmem:v25+s15+$0x0] =	vst.idx.add.s32.msk $0xffff, v4;
	v30 =	vor.u32 $0x80000000, v38;
	v38 =	vor.u32 $0x80000000, v57;
	v40 =	vshra.s32 v27, $0x1F  }
0x6b: {  	v14 =	vld [tilespmem:s31+$0xB0];
	v19 =	vxor.u32 v19, v30;
	v59 =	vor.u32 $0x80000000, v40;
	v23 =	vxor.u32 v23, v38  }
0x6c: {  	[tilespmem:v18+s15+$0x0] =	vst.idx.add.s32.msk $0xffff, v4;
	v40 =	vor.u32 $0x80000000, v62;
	v18 =	vxor.u32 v27, v59;
	v19 =	vshrl.u32 v19, $0x16  }
0x6d: {  	v51 =	vld [tilespmem:s31+$0xD0];
	v37 =	vxor.u32 v37, v40;
	v23 =	vshrl.u32 v23, $0x16;
	v19 =	vadd.s32 v1, v19  }
0x6e: {  	v30 =	vld [tilespmem:s26+$0x60];
	v23 =	vadd.s32 v1, v23;
	v18 =	vshrl.u32 v18, $0x16;
	v41 =	vshra.s32 v56, $0x1F  }
0x6f: {  	[tilespmem:v29+s15+$0x0] =	vst.idx.add.s32.msk $0xffff, v4;
	v28 =	vshrl.u32 v37, $0x16;
	v18 =	vadd.s32 v1, v18;
	v63 =	vor.u32 $0x80000000, v41  }
0x70: {  	v21 =	vor.u32 $0x80000000, v21;
	[tilespmem:v20+s15+$0x0] =	vst.idx.add.s32.msk $0xffff, v4;
	v28 =	vadd.s32 v1, v28;
	v34 =	vxor.u32 v56, v63  }
0x71: {  	v17 =	vshrl.u32 v17, $0x16;
	v21 =	vxor.u32 v24, v21;
	v57 =	vld [tilespmem:s26+$0x30];
	v34 =	vshrl.u32 v34, $0x16  }
0x72: {  	v24 =	vor.u32 $0x80000000, v31;
	v31 =	vshra.s32 v14, $0x1F;
	[tilespmem:v19+s15+$0x0] =	vst.idx.add.s32.msk $0xffff, v4;
	v27 =	vadd.s32 v5, v34  }
0x73: {  	v16 =	vxor.u32 v16, v24;
	v24 =	vshra.s32 v51, $0x1F;
	v47 =	vshra.s32 v30, $0x1F;
	[tilespmem:v23+s15+$0x0] =	vst.idx.add.s32.msk $0xffff, v4  }
0x74: {  	v20 =	vshrl.u32 v15, $0x16;
	v50 =	vor.u32 $0x80000000, v47;
	v19 =	vshra.s32 v52, $0x1F;
	[tilespmem:v18+s15+$0x0] =	vst.idx.add.s32.msk $0xffff, v4  }
0x75: {  	v15 =	vadd.s32 v5, v11;
	v30 =	vxor.u32 v30, v50;
	v19 =	vor.u32 $0x80000000, v19;
	[tilespmem:v28+s15+$0x0] =	vst.idx.add.s32.msk $0xffff, v4  }
0x76: {  	v11 =	vadd.s32 v5, v17;
	v30 =	vshrl.u32 v30, $0x16;
	v17 =	vld [tilespmem:s26+$0xFFFFFF90];
	v19 =	vxor.u32 v52, v19  }
0x77: {  	v29 =	vadd.s32 v1, v30;
	v19 =	vshrl.u32 v19, $0x16;
	[tilespmem:v27+s15+$0x0] =	vst.idx.add.s32.msk $0xffff, v4;
	v27 =	vshra.s32 v49, $0x1F  }
0x78: {  	v18 =	vor.u32 $0x80000000, v31;
	v54 =	vld [tilespmem:s26+$0xFFFFFFD0];
	v19 =	vadd.s32 v1, v19;
	v25 =	vor.u32 $0x80000000, v27  }
0x79: {  	v14 =	vxor.u32 v14, v18;
	v18 =	vor.u32 $0x80000000, v24;
	v24 =	vld [tilespmem:s26+$0xFFFFFF10];
	v25 =	vxor.u32 v49, v25  }
0x7a: {  	v8 =	vshrl.u32 v8, $0x16;
	v30 =	vld [tilespmem:s26+$0xFFFFFF70];
	v23 =	vshrl.u32 v25, $0x16;
	v25 =	vadd.s32 v1, v26  }
0x7b: {  	v10 =	vshrl.u32 v10, $0x16;
	v12 =	vshrl.u32 v12, $0x16;
	v13 =	vshrl.u32 v13, $0x16;
	v56 =	vld [tilespmem:s26+$0x10]  }
0x7c: {  	v13 =	vadd.s32 v5, v13;
	v22 =	vshrl.u32 v22, $0x16;
	[tilespmem:v29+s15+$0x0] =	vst.idx.add.s32.msk $0xffff, v4;
	v23 =	vadd.s32 v1, v23  }
0x7d: {  	v21 =	vshrl.u32 v21, $0x16;
	v61 =	vshra.s32 v57, $0x1F;
	v28 =	vadd.s32 v5, v7;
	[tilespmem:v19+s15+$0x0] =	vst.idx.add.s32.msk $0xffff, v4  }
0x7e: {  	v31 =	vadd.s32 v5, v8;
	v18 =	vxor.u32 v51, v18;
	v27 =	vadd.s32 v1, v32;
	v26 =	vld [tilespmem:s26+$0xFFFFFF50]  }
0x7f: {  	v33 =	vor.u32 $0x80000000, v61;
	v29 =	vadd.s32 v5, v9;
	v9 =	vadd.s32 v5, v21;
	[tilespmem:v25+s15+$0x0] =	vst.idx.add.s32.msk $0xffff, v4  }
0x80: {  	v21 =	vshra.s32 v30, $0x1F;
	v19 =	vshrl.u32 v16, $0x16;
	v16 =	vadd.s32 v5, v10;
	v25 =	vld [tilespmem:s26+$0xFFFFFF30]  }
0x81: {  	v10 =	vadd.s32 v5, v22;
	v22 =	vshra.s32 v17, $0x1F;
	[tilespmem:v23+s15+$0x0] =	vst.idx.add.s32.msk $0xffff, v4;
	v23 =	vshrl.u32 v14, $0x16  }
0x82: {  	v60 =	vshra.s32 v56, $0x1F;
	v22 =	vor.u32 $0x80000000, v22;
	v7 =	vadd.s32 v5, v23;
	v23 =	vld [tilespmem:s26+$0xFFFFFFB0]  }
0x83: {  	[tilespmem:v27+s15+$0x0] =	vst.idx.add.s32.msk $0xffff, v4;
	v27 =	vadd.s32 v5, v6;
	v6 =	vshrl.u32 v18, $0x16;
	v18 =	vshra.s32 v24, $0x1F  }
0x84: {  	v8 =	vadd.s32 v5, v19;
	v22 =	vxor.u32 v17, v22;
	v18 =	vor.u32 $0x80000000, v18;
	v55 =	vld [tilespmem:s26+$0xFFFFFFF0]  }
0x85: {  	v14 =	vadd.s32 v5, v12;
	v12 =	vadd.s32 v5, v20;
	v20 =	vshra.s32 v26, $0x1F  }
0x86: {  	v18 =	vxor.u32 v24, v18;
	v20 =	vor.u32 $0x80000000, v20;
	v19 =	vshra.s32 v25, $0x1F  }
0x87: {  	v58 =	vld [tilespmem:s26+$0x50];
	v20 =	vxor.u32 v26, v20;
	v19 =	vor.u32 $0x80000000, v19;
	v24 =	vshra.s32 v23, $0x1F  }
0x88: {  	v59 =	vld [tilespmem:s26+$0x70];
	v19 =	vxor.u32 v25, v19;
	v25 =	vshra.s32 v54, $0x1F;
	v17 =	vor.u32 $0x80000000, v24  }
0x89: {  	v26 =	vshra.s32 v55, $0x1F;
	v24 =	vxor.u32 v23, v17;
	v23 =	vor.u32 $0x80000000, v25;
	v17 =	vld [tilespmem:s26+$0x90]  }
0x8a: {  	v21 =	vor.u32 $0x80000000, v21;
	v25 =	vxor.u32 v54, v23;
	v23 =	vor.u32 $0x80000000, v26;
	v26 =	vld [tilespmem:s26+$0xB0]  }
0x8b: {  	v32 =	vor.u32 $0x80000000, v60;
	v21 =	vxor.u32 v30, v21;
	v30 =	vxor.u32 v55, v23;
	v23 =	vld [tilespmem:s26+$0xD0]  }
0x8c: {  	v33 =	vxor.u32 v57, v33;
	[tilespmem:v28+s15+$0x0] =	vst.idx.add.s32.msk $0xffff, v4;
	v62 =	vshra.s32 v58, $0x1F;
	v32 =	vxor.u32 v56, v32  }
0x8d: {  	v63 =	vshra.s32 v59, $0x1F;
	v6 =	vadd.s32 v5, v6;
	[tilespmem:v27+s15+$0x0] =	vst.idx.add.s32.msk $0xffff, v4;
	v27 =	vor.u32 $0x80000000, v62  }
0x8e: {  	[tilespmem:v31+s15+$0x0] =	vst.idx.add.s32.msk $0xffff, v4;
	v34 =	vxor.u32 v58, v27;
	v27 =	vor.u32 $0x80000000, v63;
	v28 =	vshra.s32 v17, $0x1F  }
0x8f: {  	s25 =	simm.s32 $0x10;
	[tilespmem:v29+s15+$0x0] =	vst.idx.add.s32.msk $0xffff, v4;
	v35 =	vxor.u32 v59, v27;
	s26 =	simm.s32 $0x500;
	v28 =	vor.u32 $0x80000000, v28;
	v27 =	vshra.s32 v26, $0x1F  }
.LBB2_8:
0x90: {  	v36 =	vld [tilespmem:s26+$0xE0];
	s25 =	sadd.s32 $0x10, s25;
	v17 =	vxor.u32 v17, v28;
	v27 =	vor.u32 $0x80000000, v27;
	v28 =	vshra.s32 v23, $0x1F  }
0x91: {  	v18 =	vshrl.u32 v18, $0x16;
	v37 =	vld [tilespmem:s26+$0xFFFFFF20];
	p0 =	slt.u32 s25, $0x1F0;
	v29 =	vxor.u32 v26, v27;
	v26 =	vor.u32 $0x80000000, v28  }
0x92: {  	v20 =	vshrl.u32 v20, $0x16;
	v27 =	vshrl.u32 v19, $0x16;
	v38 =	vld [tilespmem:s26+$0xFFFFFF40];
	v31 =	vxor.u32 v23, v26  }
0x93: {  	v22 =	vshrl.u32 v22, $0x16;
	v28 =	vshrl.u32 v21, $0x16;
	v23 =	vshrl.u32 v24, $0x16;
	v39 =	vld [tilespmem:s26+$0xFFFFFF60]  }
0x94: {  	v19 =	vshrl.u32 v32, $0x16;
	v24 =	vshrl.u32 v25, $0x16;
	v25 =	vshrl.u32 v30, $0x16;
	v40 =	vld [tilespmem:s26+$0xFFFFFF80]  }
0x95: {  	v21 =	vshrl.u32 v34, $0x16;
	v26 =	vshrl.u32 v33, $0x16;
	v32 =	vld [tilespmem:s26+$0xFFFFFFA0];
	v30 =	vshra.s32 v36, $0x1F  }
0x96: {  	v33 =	vshra.s32 v37, $0x1F;
	v34 =	vld [tilespmem:s26+$0xFFFFFFC0];
	v41 =	vor.u32 $0x80000000, v30;
	v30 =	vshrl.u32 v35, $0x16  }
0x97: {  	v33 =	vor.u32 $0x80000000, v33;
	v35 =	vshra.s32 v38, $0x1F;
	v42 =	vld [tilespmem:s26+$0xFFFFFFE0];
	v36 =	vxor.u32 v36, v41  }
0x98: {  	v35 =	vor.u32 $0x80000000, v35;
	v41 =	vshra.s32 v39, $0x1F;
	v43 =	vld [tilespmem:s26+$0x0];
	v36 =	vshrl.u32 v36, $0x16  }
0x99: {  	v41 =	vor.u32 $0x80000000, v41;
	v44 =	vshra.s32 v40, $0x1F;
	v45 =	vld [tilespmem:s26+$0x20];
	v36 =	vadd.s32 v1, v36  }
0x9a: {  	v33 =	vxor.u32 v37, v33;
	v37 =	vor.u32 $0x80000000, v44;
	v44 =	vshra.s32 v32, $0x1F;
	v46 =	vld [tilespmem:s26+$0x40]  }
0x9b: {  	v35 =	vxor.u32 v38, v35;
	v38 =	vor.u32 $0x80000000, v44;
	v44 =	vshra.s32 v34, $0x1F;
	v47 =	vld [tilespmem:s26+$0x60]  }
0x9c: {  	v39 =	vxor.u32 v39, v41;
	v41 =	vor.u32 $0x80000000, v44;
	v44 =	vshra.s32 v42, $0x1F;
	v48 =	vld [tilespmem:s26+$0x80]  }
0x9d: {  	v37 =	vxor.u32 v40, v37;
	v40 =	vor.u32 $0x80000000, v44;
	v44 =	vshra.s32 v43, $0x1F;
	v49 =	vld [tilespmem:s26+$0xA0]  }
0x9e: {  	v32 =	vxor.u32 v32, v38;
	v38 =	vor.u32 $0x80000000, v44;
	v44 =	vshra.s32 v45, $0x1F;
	[tilespmem:v36+s15+$0x0] =	vst.idx.add.s32.msk $0xffff, v4  }
0x9f: {  	v34 =	vxor.u32 v34, v41;
	v36 =	vor.u32 $0x80000000, v44;
	v41 =	vshra.s32 v46, $0x1F;
	v44 =	vld [tilespmem:s26+$0xF0]  }
0xa0: {  	v40 =	vxor.u32 v42, v40;
	v41 =	vor.u32 $0x80000000, v41;
	v42 =	vshra.s32 v47, $0x1F;
	v50 =	vld [tilespmem:s26+$0xC0]  }
0xa1: {  	v38 =	vxor.u32 v43, v38;
	v51 =	vld [tilespmem:s26+$0xFFFFFF00];
	v42 =	vor.u32 $0x80000000, v42;
	v43 =	vshra.s32 v48, $0x1F  }
0xa2: {  	v36 =	vxor.u32 v45, v36;
	v43 =	vor.u32 $0x80000000, v43;
	v45 =	vshra.s32 v49, $0x1F;
	[tilespmem:v16+s15+$0x0] =	vst.idx.add.s32.msk $0xffff, v4  }
0xa3: {  	v16 =	vxor.u32 v46, v41;
	v41 =	vxor.u32 v47, v42;
	v42 =	vor.u32 $0x80000000, v45;
	[tilespmem:v15+s15+$0x0] =	vst.idx.add.s32.msk $0xffff, v4  }
0xa4: {  	v15 =	vxor.u32 v48, v43;
	v42 =	vxor.u32 v49, v42;
	v43 =	vshra.s32 v44, $0x1F;
	[tilespmem:v14+s15+$0x0] =	vst.idx.add.s32.msk $0xffff, v4  }
0xa5: {  	v14 =	vshrl.u32 v33, $0x16;
	v33 =	vshra.s32 v50, $0x1F;
	v43 =	vor.u32 $0x80000000, v43;
	[tilespmem:v13+s15+$0x0] =	vst.idx.add.s32.msk $0xffff, v4  }
0xa6: {  	v13 =	vshra.s32 v51, $0x1F;
	v33 =	vor.u32 $0x80000000, v33;
	v43 =	vxor.u32 v44, v43;
	[tilespmem:v12+s15+$0x0] =	vst.idx.add.s32.msk $0xffff, v4  }
0xa7: {  	v12 =	vor.u32 $0x80000000, v13;
	v13 =	vxor.u32 v50, v33;
	v33 =	vshrl.u32 v43, $0x16;
	[tilespmem:v11+s15+$0x0] =	vst.idx.add.s32.msk $0xffff, v4  }
0xa8: {  	v11 =	vxor.u32 v51, v12;
	v12 =	vshrl.u32 v35, $0x16;
	v33 =	vadd.s32 v5, v33;
	[tilespmem:v10+s15+$0x0] =	vst.idx.add.s32.msk $0xffff, v4  }
0xa9: {  	v35 =	vshrl.u32 v37, $0x16;
	v10 =	vshrl.u32 v11, $0x16;
	v11 =	vshrl.u32 v39, $0x16;
	[tilespmem:v9+s15+$0x0] =	vst.idx.add.s32.msk $0xffff, v4  }
0xaa: {  	v9 =	vshrl.u32 v32, $0x16;
	v32 =	vshrl.u32 v34, $0x16;
	v34 =	vshrl.u32 v40, $0x16;
	[tilespmem:v8+s15+$0x0] =	vst.idx.add.s32.msk $0xffff, v4  }
0xab: {  	v36 =	vshrl.u32 v36, $0x16;
	v16 =	vshrl.u32 v16, $0x16;
	v8 =	vshrl.u32 v38, $0x16;
	[tilespmem:v7+s15+$0x0] =	vst.idx.add.s32.msk $0xffff, v4  }
0xac: {  	v15 =	vshrl.u32 v15, $0x16;
	v37 =	vshrl.u32 v42, $0x16;
	v7 =	vshrl.u32 v41, $0x16;
	[tilespmem:v6+s15+$0x0] =	vst.idx.add.s32.msk $0xffff, v4  }
0xad: {  	v13 =	vshrl.u32 v13, $0x16;
	v6 =	vadd.s32 v1, v10;
	v10 =	vadd.s32 v1, v14;
	[tilespmem:v33+s15+$0x0] =	vst.idx.add.s32.msk $0xffff, v4  }
0xae: {  	v12 =	vadd.s32 v1, v12;
	v11 =	vadd.s32 v1, v11;
	v14 =	vadd.s32 v1, v35  }
0xaf: {  	v9 =	vadd.s32 v1, v9;
	v32 =	vadd.s32 v1, v32;
	v33 =	vadd.s32 v1, v34  }
0xb0: {  	v35 =	vadd.s32 v1, v36;
	v36 =	vadd.s32 v1, v16;
	v34 =	vadd.s32 v1, v8  }
0xb1: {  	v39 =	vadd.s32 v1, v15;
	v37 =	vadd.s32 v1, v37;
	v38 =	vadd.s32 v1, v7  }
0xb2: {  	v40 =	vadd.s32 v1, v13;
	v7 =	vshrl.u32 v29, $0x16;
	[tilespmem:v6+s15+$0x0] =	vst.idx.add.s32.msk $0xffff, v4;
	v6 =	vshrl.u32 v17, $0x16  }
0xb3: {  	v27 =	vadd.s32 v5, v27;
	v29 =	vadd.s32 v5, v18;
	v17 =	vshrl.u32 v31, $0x16;
	[tilespmem:v10+s15+$0x0] =	vst.idx.add.s32.msk $0xffff, v4  }
0xb4: {  	v41 =	vadd.s32 v5, v28;
	v31 =	vadd.s32 v5, v20;
	[tilespmem:v12+s15+$0x0] =	vst.idx.add.s32.msk $0xffff, v4  }
0xb5: {  	v15 =	vadd.s32 v5, v23;
	v16 =	vadd.s32 v5, v22;
	[tilespmem:v11+s15+$0x0] =	vst.idx.add.s32.msk $0xffff, v4  }
0xb6: {  	v13 =	vadd.s32 v5, v25;
	[tilespmem:v14+s15+$0x0] =	vst.idx.add.s32.msk $0xffff, v4;
	v14 =	vadd.s32 v5, v24  }
0xb7: {  	v12 =	vadd.s32 v5, v19;
	v11 =	vadd.s32 v5, v26;
	[tilespmem:v9+s15+$0x0] =	vst.idx.add.s32.msk $0xffff, v4  }
0xb8: {  	v10 =	vadd.s32 v5, v21;
	v9 =	vadd.s32 v5, v30;
	[tilespmem:v32+s15+$0x0] =	vst.idx.add.s32.msk $0xffff, v4  }
0xb9: {  	v7 =	vadd.s32 v5, v7;
	v8 =	vadd.s32 v5, v6;
	[tilespmem:v33+s15+$0x0] =	vst.idx.add.s32.msk $0xffff, v4  }
0xba: {  	v6 =	vadd.s32 v5, v17;
	[tilespmem:v34+s15+$0x0] =	vst.idx.add.s32.msk $0xffff, v4  }
0xbb: {  	[tilespmem:v35+s15+$0x0] =	vst.idx.add.s32.msk $0xffff, v4  }
0xbc: {  	[tilespmem:v36+s15+$0x0] =	vst.idx.add.s32.msk $0xffff, v4  }
0xbd: {  	[tilespmem:v38+s15+$0x0] =	vst.idx.add.s32.msk $0xffff, v4  }
0xbe: {  	[tilespmem:v39+s15+$0x0] =	vst.idx.add.s32.msk $0xffff, v4  }
0xbf: {  	[tilespmem:v37+s15+$0x0] =	vst.idx.add.s32.msk $0xffff, v4  }
0xc0: {  	[tilespmem:v40+s15+$0x0] =	vst.idx.add.s32.msk $0xffff, v4  }
0xc1: {  	v17 =	vld [tilespmem:s26+$0xFFFFFF10]  }
0xc2: {  	v19 =	vld [tilespmem:s26+$0xFFFFFF30]  }
0xc3: {  	v20 =	vld [tilespmem:s26+$0xFFFFFF50]  }
0xc4: {  	v21 =	vld [tilespmem:s26+$0xFFFFFF70]  }
0xc5: {  	v22 =	vld [tilespmem:s26+$0xFFFFFF90]  }
0xc6: {  	v18 =	vshra.s32 v17, $0x1F;
	v23 =	vld [tilespmem:s26+$0xFFFFFFB0]  }
0xc7: {  	v18 =	vor.u32 $0x80000000, v18;
	v24 =	vshra.s32 v19, $0x1F;
	v25 =	vld [tilespmem:s26+$0xFFFFFFD0]  }
0xc8: {  	v18 =	vxor.u32 v17, v18;
	v17 =	vor.u32 $0x80000000, v24;
	v24 =	vshra.s32 v20, $0x1F;
	v28 =	vld [tilespmem:s26+$0xFFFFFFF0]  }
0xc9: {  	v19 =	vxor.u32 v19, v17;
	v17 =	vor.u32 $0x80000000, v24;
	v24 =	vshra.s32 v21, $0x1F;
	v32 =	vld [tilespmem:s26+$0x10]  }
0xca: {  	v20 =	vxor.u32 v20, v17;
	v17 =	vor.u32 $0x80000000, v24;
	v24 =	vshra.s32 v22, $0x1F;
	v33 =	vld [tilespmem:s26+$0x30]  }
0xcb: {  	v21 =	vxor.u32 v21, v17;
	v17 =	vor.u32 $0x80000000, v24;
	v24 =	vshra.s32 v23, $0x1F;
	v34 =	vld [tilespmem:s26+$0x50]  }
0xcc: {  	v22 =	vxor.u32 v22, v17;
	v17 =	vor.u32 $0x80000000, v24;
	v26 =	vshra.s32 v25, $0x1F;
	v35 =	vld [tilespmem:s26+$0x70]  }
0xcd: {  	v24 =	vxor.u32 v23, v17;
	v23 =	vor.u32 $0x80000000, v26;
	v26 =	vshra.s32 v28, $0x1F;
	v17 =	vld [tilespmem:s26+$0x90]  }
0xce: {  	v25 =	vxor.u32 v25, v23;
	v23 =	vor.u32 $0x80000000, v26;
	v36 =	vshra.s32 v32, $0x1F;
	v26 =	vld [tilespmem:s26+$0xB0]  }
.Ltmp3:
0xcf: {  	v30 =	vxor.u32 v28, v23;
	v28 =	vor.u32 $0x80000000, v36;
	v36 =	vshra.s32 v33, $0x1F;
	v23 =	vld [tilespmem:s26+$0xD0];
	(pc) =	sbr.rel @p0 .LBB2_8-.Ltmp3, $4  }
0xd0: {  	v32 =	vxor.u32 v32, v28;
	v28 =	vor.u32 $0x80000000, v36;
	v36 =	vshra.s32 v34, $0x1F;
	[tilespmem:v29+s15+$0x0] =	vst.idx.add.s32.msk $0xffff, v4  }
0xd1: {  	v33 =	vxor.u32 v33, v28;
	v28 =	vor.u32 $0x80000000, v36;
	v29 =	vshra.s32 v35, $0x1F;
	[tilespmem:v27+s15+$0x0] =	vst.idx.add.s32.msk $0xffff, v4  }
0xd2: {  	v34 =	vxor.u32 v34, v28;
	v27 =	vor.u32 $0x80000000, v29;
	v28 =	vshra.s32 v17, $0x1F;
	[tilespmem:v31+s15+$0x0] =	vst.idx.add.s32.msk $0xffff, v4  }
0xd3: {  	s26 =	sadd.s32 $0x200, s26;
	v35 =	vxor.u32 v35, v27;
	v28 =	vor.u32 $0x80000000, v28;
	v27 =	vshra.s32 v26, $0x1F;
	[tilespmem:v41+s15+$0x0] =	vst.idx.add.s32.msk $0xffff, v4  }
0xd4: {  	_ =	sdelay $0x3  }
0xd5: {  	[tilespmem:v16+s15+$0x0] =	vst.idx.add.s32.msk $0xffff, v4  }
0xd6: {  	[tilespmem:v15+s15+$0x0] =	vst.idx.add.s32.msk $0xffff, v4  }
0xd7: {  	[tilespmem:v14+s15+$0x0] =	vst.idx.add.s32.msk $0xffff, v4  }
0xd8: {  	[tilespmem:v13+s15+$0x0] =	vst.idx.add.s32.msk $0xffff, v4  }
0xd9: {  	[tilespmem:v12+s15+$0x0] =	vst.idx.add.s32.msk $0xffff, v4  }
0xda: {  	v12 =	vshrl.u32 v18, $0x16;
	[tilespmem:v11+s15+$0x0] =	vst.idx.add.s32.msk $0xffff, v4  }
0xdb: {  	v11 =	vshrl.u32 v19, $0x16;
	[tilespmem:v10+s15+$0x0] =	vst.idx.add.s32.msk $0xffff, v4;
	v10 =	vadd.s32 v5, v12  }
0xdc: {  	[tilespmem:v9+s15+$0x0] =	vst.idx.add.s32.msk $0xffff, v4;
	v13 =	vshrl.u32 v32, $0x16;
	v9 =	vadd.s32 v5, v11  }
0xdd: {  	[tilespmem:v8+s15+$0x0] =	vst.idx.add.s32.msk $0xffff, v4;
	v12 =	vshrl.u32 v20, $0x16;
	v13 =	vadd.s32 v5, v13  }
0xde: {  	[tilespmem:v7+s15+$0x0] =	vst.idx.add.s32.msk $0xffff, v4;
	v11 =	vshrl.u32 v21, $0x16;
	v8 =	vadd.s32 v5, v12  }
0xdf: {  	[tilespmem:v6+s15+$0x0] =	vst.idx.add.s32.msk $0xffff, v4;
	v12 =	vshrl.u32 v22, $0x16;
	v7 =	vadd.s32 v5, v11  }
0xe0: {  	v14 =	vshrl.u32 v33, $0x16;
	v6 =	vadd.s32 v5, v12;
	[tilespmem:v10+s15+$0x0] =	vst.idx.add.s32.msk $0xffff, v4  }
0xe1: {  	v15 =	vshrl.u32 v34, $0x16;
	v14 =	vadd.s32 v5, v14;
	[tilespmem:v9+s15+$0x0] =	vst.idx.add.s32.msk $0xffff, v4  }
0xe2: {  	v15 =	vadd.s32 v5, v15;
	v11 =	vshrl.u32 v24, $0x16;
	v12 =	vshrl.u32 v25, $0x16;
	[tilespmem:v13+s15+$0x0] =	vst.idx.add.s32.msk $0xffff, v4  }
0xe3: {  	v11 =	vadd.s32 v5, v11;
	v12 =	vadd.s32 v5, v12;
	v10 =	vshrl.u32 v30, $0x16;
	[tilespmem:v8+s15+$0x0] =	vst.idx.add.s32.msk $0xffff, v4  }
0xe4: {  	v9 =	vxor.u32 v17, v28;
	v10 =	vadd.s32 v5, v10;
	v8 =	vor.u32 $0x80000000, v27;
	[tilespmem:v7+s15+$0x0] =	vst.idx.add.s32.msk $0xffff, v4  }
0xe5: {  	v7 =	vshra.s32 v23, $0x1F;
	v9 =	vshrl.u32 v9, $0x16;
	[tilespmem:v6+s15+$0x0] =	vst.idx.add.s32.msk $0xffff, v4;
	v6 =	vxor.u32 v26, v8  }
0xe6: {  	[tilespmem:v14+s15+$0x0] =	vst.idx.add.s32.msk $0xffff, v4;
	v8 =	vshrl.u32 v35, $0x16;
	v7 =	vor.u32 $0x80000000, v7;
	v9 =	vadd.s32 v5, v9  }
0xe7: {  	[tilespmem:v15+s15+$0x0] =	vst.idx.add.s32.msk $0xffff, v4;
	v8 =	vadd.s32 v5, v8;
	v7 =	vxor.u32 v23, v7;
	v6 =	vshrl.u32 v6, $0x16  }
0xe8: {  	[tilespmem:v11+s15+$0x0] =	vst.idx.add.s32.msk $0xffff, v4;
	v7 =	vshrl.u32 v7, $0x16;
	v6 =	vadd.s32 v5, v6  }
0xe9: {  	[tilespmem:v12+s15+$0x0] =	vst.idx.add.s32.msk $0xffff, v4;
	v7 =	vadd.s32 v5, v7  }
0xea: {  	[tilespmem:v10+s15+$0x0] =	vst.idx.add.s32.msk $0xffff, v4  }
0xeb: {  	p0 =	seq.s32 s23, $0x1F;
	[tilespmem:v9+s15+$0x0] =	vst.idx.add.s32.msk $0xffff, v4  }
0xec: {  	s24 =	sadd.s32 @!p0 s5, s24;
	[tilespmem:v8+s15+$0x0] =	vst.idx.add.s32.msk $0xffff, v4  }
0xed: {  	s25 =	simm.s32 @!p0 $0x20;
	s24 =	sshrl.u32 @!p0 s24, $0x3;
	[tilespmem:v6+s15+$0x0] =	vst.idx.add.s32.msk $0xffff, v4  }
0xee: {  	s26 =	simm.s32 @!p0 $0x300;
	s28 =	simm.s32 @!p0 $0x0;
	s24 =	sadd.s32 @!p0 s2, s24;
	[tilespmem:v7+s15+$0x0] =	vst.idx.add.s32.msk $0xffff, v4  }
0xef: {  	[tilespmem:s28], [sflag:$0x1] =	stream.strided.gather @!p0 [hbm4b:s24+s25], $0x4000, s26, s25, $0x38;
	[tilespmem:$0x14090] =	vst v63  }
0xf0: {  	_ =	swait.ge [sflag:s16], $0x4000  }
0xf1: {  	[sflag:s16] =	ssyncset.done $0x0  }
0xf2: {  	s30 =	simm.s32 $0x4100;
	[sflag:s16] =	ssyncadd.s32 $0xFFFFC000  }
0xf3: {  	v6 =	vld [tilespmem:s30+$0xE0]  }
0xf4: {  	v7 =	vld [tilespmem:s30+$0xFFFFFF20]  }
0xf5: {  	v8 =	vld [tilespmem:s30+$0xFFFFFF40]  }
0xf6: {  	v9 =	vld [tilespmem:s30+$0xFFFFFF60]  }
0xf7: {  	v10 =	vld [tilespmem:s30+$0xFFFFFF80]  }
0xf8: {  	v20 =	vld [tilespmem:s30+$0x20]  }
0xf9: {  	s31 =	simm.s32 $0x4300;
	v21 =	vld [tilespmem:s30+$0x40]  }
0xfa: {  	v26 =	vld [tilespmem:s31+$0xFFFFFF40]  }
0xfb: {  	v11 =	vld [tilespmem:s30+$0xFFFFFFA0]  }
0xfc: {  	v14 =	vld [tilespmem:s30+$0xFFFFFFC0]  }
0xfd: {  	v16 =	vld [tilespmem:s30+$0xFFFFFFE0];
	v12 =	vshra.s32 v6, $0x1F;
	v13 =	vshra.s32 v7, $0x1F;
	v15 =	vshra.s32 v8, $0x1F  }
0xfe: {  	v17 =	vld [tilespmem:s30+$0x0];
	v18 =	vshra.s32 v10, $0x1F;
	v23 =	vshra.s32 v20, $0x1F;
	v24 =	vshra.s32 v21, $0x1F  }
0xff: {  	v19 =	vld [tilespmem:s30+$0xFFFFFF00];
	v53 =	vshra.s32 v26, $0x1F;
	v12 =	vor.u32 $0x80000000, v12;
	v13 =	vor.u32 $0x80000000, v13  }
0x100: {  	v22 =	vld [tilespmem:s30+$0x60];
	v23 =	vor.u32 $0x80000000, v23;
	v34 =	vor.u32 $0x80000000, v53;
	v6 =	vxor.u32 v6, v12  }
0x101: {  	v25 =	vld [tilespmem:s30+$0xC0];
	v12 =	vor.u32 $0x80000000, v15;
	v15 =	vshra.s32 v9, $0x1F;
	v7 =	vxor.u32 v7, v13  }
0x102: {  	v28 =	vld [tilespmem:s31+$0xFFFFFF60];
	v13 =	vor.u32 $0x80000000, v18;
	v18 =	vshra.s32 v11, $0x1F;
	v20 =	vxor.u32 v20, v23  }
0x103: {  	v29 =	vld [tilespmem:s31+$0xFFFFFFA0];
	v26 =	vxor.u32 v26, v34;
	v6 =	vshrl.u32 v6, $0x16;
	v15 =	vor.u32 $0x80000000, v15  }
0x104: {  	v51 =	vld [tilespmem:s31+$0xFFFFFFE0];
	v8 =	vxor.u32 v8, v12;
	v12 =	vor.u32 $0x80000000, v18;
	v18 =	vshra.s32 v14, $0x1F  }
0x105: {  	v54 =	vld [tilespmem:s31+$0x20];
	v10 =	vxor.u32 v10, v13;
	v7 =	vshrl.u32 v7, $0x16;
	v26 =	vshrl.u32 v26, $0x16  }
0x106: {  	v37 =	vld [tilespmem:s31+$0x40];
	v6 =	vadd.s32 v1, v6;
	v9 =	vxor.u32 v9, v15;
	v15 =	vor.u32 $0x80000000, v18  }
0x107: {  	v58 =	vld [tilespmem:s31+$0xFFFFFF00];
	v18 =	vshra.s32 v16, $0x1F;
	v11 =	vxor.u32 v11, v12;
	v8 =	vshrl.u32 v8, $0x16  }
0x108: {  	v46 =	vld [tilespmem:s31+$0x80];
	v7 =	vadd.s32 v1, v7;
	v13 =	vor.u32 $0x80000000, v18;
	v18 =	vshra.s32 v17, $0x1F  }
0x109: {  	v23 =	vld [tilespmem:s31+$0xE0];
	v10 =	vshrl.u32 v10, $0x16;
	v26 =	vadd.s32 v1, v26;
	v12 =	vor.u32 $0x80000000, v18  }
0x10a: {  	v18 =	vshra.s32 v19, $0x1F;
	v13 =	vxor.u32 v16, v13;
	v16 =	vor.u32 $0x80000000, v24;
	v24 =	vld [tilespmem:s30+$0xA0]  }
0x10b: {  	v14 =	vxor.u32 v14, v15;
	v8 =	vadd.s32 v1, v8;
	v15 =	vor.u32 $0x80000000, v18;
	v18 =	vld [tilespmem:s30+$0x80]  }
0x10c: {  	v9 =	vshrl.u32 v9, $0x16;
	v10 =	vadd.s32 v1, v10;
	[tilespmem:v6+s15+$0x0] =	vst.idx.add.s32.msk $0xffff, v4  }
0x10d: {  	v36 =	vshra.s32 v28, $0x1F;
	v11 =	vshrl.u32 v11, $0x16;
	v9 =	vadd.s32 v1, v9;
	[tilespmem:v7+s15+$0x0] =	vst.idx.add.s32.msk $0xffff, v4  }
0x10e: {  	v55 =	vshra.s32 v29, $0x1F;
	v39 =	vshra.s32 v51, $0x1F;
	v11 =	vadd.s32 v1, v11;
	[tilespmem:v26+s15+$0x0] =	vst.idx.add.s32.msk $0xffff, v4  }
0x10f: {  	v14 =	vshrl.u32 v14, $0x16;
	v12 =	vxor.u32 v17, v12;
	v15 =	vxor.u32 v19, v15;
	v17 =	vld [tilespmem:s30+$0xF0]  }
0x110: {  	v60 =	vshra.s32 v54, $0x1F;
	v14 =	vadd.s32 v1, v14;
	v15 =	vshrl.u32 v15, $0x16;
	[tilespmem:v8+s15+$0x0] =	vst.idx.add.s32.msk $0xffff, v4  }
0x111: {  	v62 =	vshra.s32 v37, $0x1F;
	v12 =	vshrl.u32 v12, $0x16;
	v15 =	vadd.s32 v1, v15;
	[tilespmem:v10+s15+$0x0] =	vst.idx.add.s32.msk $0xffff, v4  }
0x112: {  	v7 =	vxor.u32 v21, v16;
	v12 =	vadd.s32 v1, v12;
	v8 =	vshrl.u32 v20, $0x16;
	[tilespmem:v9+s15+$0x0] =	vst.idx.add.s32.msk $0xffff, v4  }
0x113: {  	v19 =	vshra.s32 v22, $0x1F;
	v7 =	vshrl.u32 v7, $0x16;
	v8 =	vadd.s32 v1, v8;
	[tilespmem:v11+s15+$0x0] =	vst.idx.add.s32.msk $0xffff, v4  }
0x114: {  	v44 =	vshra.s32 v58, $0x1F;
	v6 =	vor.u32 $0x80000000, v19;
	v7 =	vadd.s32 v1, v7;
	v11 =	vld [tilespmem:s30+$0xFFFFFF90]  }
0x115: {  	v36 =	vor.u32 $0x80000000, v36;
	v39 =	vor.u32 $0x80000000, v39;
	v6 =	vxor.u32 v22, v6;
	[tilespmem:v14+s15+$0x0] =	vst.idx.add.s32.msk $0xffff, v4  }
0x116: {  	v61 =	vor.u32 $0x80000000, v60;
	v6 =	vshrl.u32 v6, $0x16;
	[tilespmem:v15+s15+$0x0] =	vst.idx.add.s32.msk $0xffff, v4;
	v15 =	vshra.s32 v24, $0x1F  }
0x117: {  	v19 =	vshra.s32 v18, $0x1F;
	v6 =	vadd.s32 v1, v6;
	[tilespmem:v12+s15+$0x0] =	vst.idx.add.s32.msk $0xffff, v4;
	v9 =	vor.u32 $0x80000000, v15  }
0x118: {  	v45 =	vor.u32 $0x80000000, v44;
	v19 =	vor.u32 $0x80000000, v19;
	[tilespmem:v8+s15+$0x0] =	vst.idx.add.s32.msk $0xffff, v4;
	v9 =	vxor.u32 v24, v9  }
0x119: {  	v10 =	vxor.u32 v18, v19;
	v12 =	vshra.s32 v25, $0x1F;
	[tilespmem:v7+s15+$0x0] =	vst.idx.add.s32.msk $0xffff, v4;
	v9 =	vshrl.u32 v9, $0x16  }
0x11a: {  	v10 =	vshrl.u32 v10, $0x16;
	v12 =	vor.u32 $0x80000000, v12;
	v7 =	vld [tilespmem:s30+$0xFFFFFF30];
	v9 =	vadd.s32 v1, v9  }
0x11b: {  	v53 =	vshra.s32 v46, $0x1F;
	v10 =	vadd.s32 v1, v10;
	v12 =	vxor.u32 v25, v12;
	v25 =	vld [tilespmem:s31+$0xFFFFFF20]  }
0x11c: {  	v28 =	vxor.u32 v28, v36;
	v32 =	vxor.u32 v51, v39;
	v13 =	vshrl.u32 v13, $0x16;
	[tilespmem:v6+s15+$0x0] =	vst.idx.add.s32.msk $0xffff, v4  }
0x11d: {  	v36 =	vxor.u32 v58, v45;
	v39 =	vor.u32 $0x80000000, v53;
	v13 =	vadd.s32 v1, v13;
	v6 =	vld [tilespmem:s30+$0xFFFFFF10]  }
0x11e: {  	v48 =	vshrl.u32 v36, $0x16;
	v28 =	vshrl.u32 v28, $0x16;
	v32 =	vshrl.u32 v32, $0x16;
	v8 =	vld [tilespmem:s30+$0xFFFFFF50]  }
0x11f: {  	v28 =	vadd.s32 v1, v28;
	v27 =	vshra.s32 v23, $0x1F;
	[tilespmem:v9+s15+$0x0] =	vst.idx.add.s32.msk $0xffff, v4;
	v9 =	vshra.s32 v17, $0x1F  }
0x120: {  	v26 =	vxor.u32 v46, v39;
	[tilespmem:v10+s15+$0x0] =	vst.idx.add.s32.msk $0xffff, v4;
	v52 =	vshra.s32 v25, $0x1F;
	v9 =	vor.u32 $0x80000000, v9  }
0x121: {  	v26 =	vshrl.u32 v26, $0x16;
	v10 =	vld [tilespmem:s30+$0xFFFFFF70];
	v33 =	vor.u32 $0x80000000, v52;
	v9 =	vxor.u32 v17, v9  }
0x122: {  	[tilespmem:v13+s15+$0x0] =	vst.idx.add.s32.msk $0xffff, v4;
	v14 =	vshra.s32 v6, $0x1F;
	v25 =	vxor.u32 v25, v33;
	v9 =	vshrl.u32 v9, $0x16  }
0x123: {  	v13 =	vld [tilespmem:s30+$0xFFFFFFB0];
	v33 =	vor.u32 $0x80000000, v55;
	v18 =	vadd.s32 v5, v9;
	v9 =	vshrl.u32 v12, $0x16  }
0x124: {  	v15 =	vld [tilespmem:s30+$0xFFFFFFD0];
	v12 =	vor.u32 $0x80000000, v14;
	v20 =	vadd.s32 v1, v9;
	v9 =	vshra.s32 v7, $0x1F  }
0x125: {  	v17 =	vld [tilespmem:s30+$0xFFFFFFF0];
	v6 =	vxor.u32 v6, v12;
	v12 =	vshra.s32 v8, $0x1F;
	v9 =	vor.u32 $0x80000000, v9  }
0x126: {  	v14 =	vshra.s32 v10, $0x1F;
	v7 =	vxor.u32 v7, v9;
	v9 =	vor.u32 $0x80000000, v12  }
0x127: {  	v19 =	vld [tilespmem:s30+$0x10];
	v12 =	vor.u32 $0x80000000, v14;
	v14 =	vshra.s32 v11, $0x1F;
	v9 =	vxor.u32 v8, v9  }
0x128: {  	v49 =	vld [tilespmem:s31+$0xA0];
	v8 =	vxor.u32 v10, v12;
	v10 =	vor.u32 $0x80000000, v14;
	v12 =	vshra.s32 v13, $0x1F  }
0x129: {  	v21 =	vld [tilespmem:s30+$0x30];
	v14 =	vshra.s32 v15, $0x1F;
	v10 =	vxor.u32 v11, v10;
	v11 =	vor.u32 $0x80000000, v12  }
0x12a: {  	v22 =	vld [tilespmem:s30+$0x50];
	v12 =	vor.u32 $0x80000000, v14;
	v11 =	vxor.u32 v13, v11;
	v13 =	vshra.s32 v17, $0x1F  }
0x12b: {  	[tilespmem:v28+s15+$0x0] =	vst.idx.add.s32.msk $0xffff, v4;
	v29 =	vxor.u32 v29, v33;
	v12 =	vxor.u32 v15, v12;
	v13 =	vor.u32 $0x80000000, v13  }
0x12c: {  	v24 =	vld [tilespmem:s30+$0x70];
	v15 =	vshra.s32 v19, $0x1F;
	v13 =	vxor.u32 v17, v13;
	v17 =	vor.u32 $0x80000000, v27  }
0x12d: {  	v16 =	vld [tilespmem:s30+$0x90];
	v33 =	vadd.s32 v1, v48;
	v15 =	vor.u32 $0x80000000, v15;
	v17 =	vxor.u32 v23, v17  }
0x12e: {  	v52 =	vld [tilespmem:s31+$0xC0];
	v27 =	vshra.s32 v21, $0x1F;
	v15 =	vxor.u32 v19, v15;
	v30 =	vshrl.u32 v17, $0x16  }
0x12f: {  	v19 =	vld [tilespmem:s31+$0xFFFFFF80];
	v23 =	vor.u32 $0x80000000, v27;
	v27 =	vshra.s32 v22, $0x1F;
	v30 =	vadd.s32 v1, v30  }
0x130: {  	v25 =	vshrl.u32 v25, $0x16;
	v17 =	vxor.u32 v21, v23;
	v23 =	vld [tilespmem:s31+$0xFFFFFFC0];
	v27 =	vor.u32 $0x80000000, v27  }
0x131: {  	v25 =	vadd.s32 v1, v25;
	v29 =	vshrl.u32 v29, $0x16;
	v22 =	vxor.u32 v22, v27;
	v27 =	vld [tilespmem:s31+$0x0]  }
0x132: {  	v29 =	vadd.s32 v1, v29;
	v31 =	vshra.s32 v16, $0x1F;
	[tilespmem:v20+s15+$0x0] =	vst.idx.add.s32.msk $0xffff, v4;
	v20 =	vxor.u32 v54, v61  }
0x133: {  	[tilespmem:v33+s15+$0x0] =	vst.idx.add.s32.msk $0xffff, v4;
	v6 =	vshrl.u32 v6, $0x16;
	v7 =	vshrl.u32 v7, $0x16;
	v20 =	vshrl.u32 v20, $0x16  }
0x134: {  	v9 =	vshrl.u32 v9, $0x16;
	v11 =	vshrl.u32 v11, $0x16;
	v20 =	vadd.s32 v1, v20;
	[tilespmem:v30+s15+$0x0] =	vst.idx.add.s32.msk $0xffff, v4  }
0x135: {  	v21 =	vshra.s32 v24, $0x1F;
	v38 =	vshra.s32 v19, $0x1F;
	v57 =	vshra.s32 v23, $0x1F;
	v56 =	vld [tilespmem:s31+$0xF0]  }
0x136: {  	[tilespmem:v25+s15+$0x0] =	vst.idx.add.s32.msk $0xffff, v4;
	v30 =	vor.u32 $0x80000000, v38;
	v38 =	vor.u32 $0x80000000, v57;
	v40 =	vshra.s32 v27, $0x1F  }
0x137: {  	v14 =	vld [tilespmem:s30+$0xB0];
	v19 =	vxor.u32 v19, v30;
	v59 =	vor.u32 $0x80000000, v40;
	v23 =	vxor.u32 v23, v38  }
0x138: {  	[tilespmem:v18+s15+$0x0] =	vst.idx.add.s32.msk $0xffff, v4;
	v40 =	vor.u32 $0x80000000, v62;
	v18 =	vxor.u32 v27, v59;
	v19 =	vshrl.u32 v19, $0x16  }
0x139: {  	v51 =	vld [tilespmem:s30+$0xD0];
	v37 =	vxor.u32 v37, v40;
	v23 =	vshrl.u32 v23, $0x16;
	v19 =	vadd.s32 v1, v19  }
0x13a: {  	v30 =	vld [tilespmem:s31+$0x60];
	v23 =	vadd.s32 v1, v23;
	v18 =	vshrl.u32 v18, $0x16;
	v41 =	vshra.s32 v56, $0x1F  }
0x13b: {  	[tilespmem:v29+s15+$0x0] =	vst.idx.add.s32.msk $0xffff, v4;
	v28 =	vshrl.u32 v37, $0x16;
	v18 =	vadd.s32 v1, v18;
	v63 =	vor.u32 $0x80000000, v41  }
0x13c: {  	v21 =	vor.u32 $0x80000000, v21;
	[tilespmem:v20+s15+$0x0] =	vst.idx.add.s32.msk $0xffff, v4;
	v28 =	vadd.s32 v1, v28;
	v34 =	vxor.u32 v56, v63  }
0x13d: {  	v17 =	vshrl.u32 v17, $0x16;
	v21 =	vxor.u32 v24, v21;
	v57 =	vld [tilespmem:s31+$0x30];
	v34 =	vshrl.u32 v34, $0x16  }
0x13e: {  	v24 =	vor.u32 $0x80000000, v31;
	v31 =	vshra.s32 v14, $0x1F;
	[tilespmem:v19+s15+$0x0] =	vst.idx.add.s32.msk $0xffff, v4;
	v27 =	vadd.s32 v5, v34  }
0x13f: {  	v16 =	vxor.u32 v16, v24;
	v24 =	vshra.s32 v51, $0x1F;
	v47 =	vshra.s32 v30, $0x1F;
	[tilespmem:v23+s15+$0x0] =	vst.idx.add.s32.msk $0xffff, v4  }
0x140: {  	v20 =	vshrl.u32 v15, $0x16;
	v50 =	vor.u32 $0x80000000, v47;
	v19 =	vshra.s32 v52, $0x1F;
	[tilespmem:v18+s15+$0x0] =	vst.idx.add.s32.msk $0xffff, v4  }
0x141: {  	v15 =	vadd.s32 v5, v11;
	v30 =	vxor.u32 v30, v50;
	v19 =	vor.u32 $0x80000000, v19;
	[tilespmem:v28+s15+$0x0] =	vst.idx.add.s32.msk $0xffff, v4  }
0x142: {  	v11 =	vadd.s32 v5, v17;
	v30 =	vshrl.u32 v30, $0x16;
	v17 =	vld [tilespmem:s31+$0xFFFFFF90];
	v19 =	vxor.u32 v52, v19  }
0x143: {  	v29 =	vadd.s32 v1, v30;
	v19 =	vshrl.u32 v19, $0x16;
	[tilespmem:v27+s15+$0x0] =	vst.idx.add.s32.msk $0xffff, v4;
	v27 =	vshra.s32 v49, $0x1F  }
0x144: {  	v18 =	vor.u32 $0x80000000, v31;
	v54 =	vld [tilespmem:s31+$0xFFFFFFD0];
	v19 =	vadd.s32 v1, v19;
	v25 =	vor.u32 $0x80000000, v27  }
0x145: {  	v14 =	vxor.u32 v14, v18;
	v18 =	vor.u32 $0x80000000, v24;
	v24 =	vld [tilespmem:s31+$0xFFFFFF10];
	v25 =	vxor.u32 v49, v25  }
0x146: {  	v8 =	vshrl.u32 v8, $0x16;
	v30 =	vld [tilespmem:s31+$0xFFFFFF70];
	v23 =	vshrl.u32 v25, $0x16;
	v25 =	vadd.s32 v1, v26  }
0x147: {  	v10 =	vshrl.u32 v10, $0x16;
	v12 =	vshrl.u32 v12, $0x16;
	v13 =	vshrl.u32 v13, $0x16;
	v56 =	vld [tilespmem:s31+$0x10]  }
0x148: {  	v13 =	vadd.s32 v5, v13;
	v22 =	vshrl.u32 v22, $0x16;
	[tilespmem:v29+s15+$0x0] =	vst.idx.add.s32.msk $0xffff, v4;
	v23 =	vadd.s32 v1, v23  }
0x149: {  	v21 =	vshrl.u32 v21, $0x16;
	v61 =	vshra.s32 v57, $0x1F;
	v28 =	vadd.s32 v5, v7;
	[tilespmem:v19+s15+$0x0] =	vst.idx.add.s32.msk $0xffff, v4  }
0x14a: {  	v31 =	vadd.s32 v5, v8;
	v18 =	vxor.u32 v51, v18;
	v27 =	vadd.s32 v1, v32;
	v26 =	vld [tilespmem:s31+$0xFFFFFF50]  }
0x14b: {  	v33 =	vor.u32 $0x80000000, v61;
	v29 =	vadd.s32 v5, v9;
	v9 =	vadd.s32 v5, v21;
	[tilespmem:v25+s15+$0x0] =	vst.idx.add.s32.msk $0xffff, v4  }
0x14c: {  	v21 =	vshra.s32 v30, $0x1F;
	v19 =	vshrl.u32 v16, $0x16;
	v16 =	vadd.s32 v5, v10;
	v25 =	vld [tilespmem:s31+$0xFFFFFF30]  }
0x14d: {  	v10 =	vadd.s32 v5, v22;
	v22 =	vshra.s32 v17, $0x1F;
	[tilespmem:v23+s15+$0x0] =	vst.idx.add.s32.msk $0xffff, v4;
	v23 =	vshrl.u32 v14, $0x16  }
0x14e: {  	v60 =	vshra.s32 v56, $0x1F;
	v22 =	vor.u32 $0x80000000, v22;
	v7 =	vadd.s32 v5, v23;
	v23 =	vld [tilespmem:s31+$0xFFFFFFB0]  }
0x14f: {  	[tilespmem:v27+s15+$0x0] =	vst.idx.add.s32.msk $0xffff, v4;
	v27 =	vadd.s32 v5, v6;
	v6 =	vshrl.u32 v18, $0x16;
	v18 =	vshra.s32 v24, $0x1F  }
0x150: {  	v8 =	vadd.s32 v5, v19;
	v22 =	vxor.u32 v17, v22;
	v18 =	vor.u32 $0x80000000, v18;
	v55 =	vld [tilespmem:s31+$0xFFFFFFF0]  }
0x151: {  	v14 =	vadd.s32 v5, v12;
	v12 =	vadd.s32 v5, v20;
	v20 =	vshra.s32 v26, $0x1F  }
0x152: {  	v18 =	vxor.u32 v24, v18;
	v20 =	vor.u32 $0x80000000, v20;
	v19 =	vshra.s32 v25, $0x1F  }
0x153: {  	v58 =	vld [tilespmem:s31+$0x50];
	v20 =	vxor.u32 v26, v20;
	v19 =	vor.u32 $0x80000000, v19;
	v24 =	vshra.s32 v23, $0x1F  }
0x154: {  	v59 =	vld [tilespmem:s31+$0x70];
	v19 =	vxor.u32 v25, v19;
	v25 =	vshra.s32 v54, $0x1F;
	v17 =	vor.u32 $0x80000000, v24  }
0x155: {  	v26 =	vshra.s32 v55, $0x1F;
	v24 =	vxor.u32 v23, v17;
	v23 =	vor.u32 $0x80000000, v25;
	v17 =	vld [tilespmem:s31+$0x90]  }
0x156: {  	v21 =	vor.u32 $0x80000000, v21;
	v25 =	vxor.u32 v54, v23;
	v23 =	vor.u32 $0x80000000, v26;
	v26 =	vld [tilespmem:s31+$0xB0]  }
0x157: {  	v32 =	vor.u32 $0x80000000, v60;
	v21 =	vxor.u32 v30, v21;
	v30 =	vxor.u32 v55, v23;
	v23 =	vld [tilespmem:s31+$0xD0]  }
0x158: {  	v33 =	vxor.u32 v57, v33;
	[tilespmem:v28+s15+$0x0] =	vst.idx.add.s32.msk $0xffff, v4;
	v62 =	vshra.s32 v58, $0x1F;
	v32 =	vxor.u32 v56, v32  }
0x159: {  	v63 =	vshra.s32 v59, $0x1F;
	v6 =	vadd.s32 v5, v6;
	[tilespmem:v27+s15+$0x0] =	vst.idx.add.s32.msk $0xffff, v4;
	v27 =	vor.u32 $0x80000000, v62  }
0x15a: {  	[tilespmem:v31+s15+$0x0] =	vst.idx.add.s32.msk $0xffff, v4;
	v34 =	vxor.u32 v58, v27;
	v27 =	vor.u32 $0x80000000, v63;
	v28 =	vshra.s32 v17, $0x1F  }
0x15b: {  	s24 =	simm.s32 $0x10;
	s25 =	simm.s32 $0x4500;
	[tilespmem:v29+s15+$0x0] =	vst.idx.add.s32.msk $0xffff, v4;
	v35 =	vxor.u32 v59, v27;
	v28 =	vor.u32 $0x80000000, v28;
	v27 =	vshra.s32 v26, $0x1F  }
.LBB2_10:
0x15c: {  	v36 =	vld [tilespmem:s25+$0xE0];
	s24 =	sadd.s32 $0x10, s24;
	v17 =	vxor.u32 v17, v28;
	v27 =	vor.u32 $0x80000000, v27;
	v28 =	vshra.s32 v23, $0x1F  }
0x15d: {  	v18 =	vshrl.u32 v18, $0x16;
	v37 =	vld [tilespmem:s25+$0xFFFFFF20];
	p0 =	slt.u32 s24, $0x1F0;
	v29 =	vxor.u32 v26, v27;
	v26 =	vor.u32 $0x80000000, v28  }
0x15e: {  	v20 =	vshrl.u32 v20, $0x16;
	v27 =	vshrl.u32 v19, $0x16;
	v38 =	vld [tilespmem:s25+$0xFFFFFF40];
	v31 =	vxor.u32 v23, v26  }
0x15f: {  	v22 =	vshrl.u32 v22, $0x16;
	v28 =	vshrl.u32 v21, $0x16;
	v23 =	vshrl.u32 v24, $0x16;
	v39 =	vld [tilespmem:s25+$0xFFFFFF60]  }
0x160: {  	v19 =	vshrl.u32 v32, $0x16;
	v24 =	vshrl.u32 v25, $0x16;
	v25 =	vshrl.u32 v30, $0x16;
	v40 =	vld [tilespmem:s25+$0xFFFFFF80]  }
0x161: {  	v21 =	vshrl.u32 v34, $0x16;
	v26 =	vshrl.u32 v33, $0x16;
	v32 =	vld [tilespmem:s25+$0xFFFFFFA0];
	v30 =	vshra.s32 v36, $0x1F  }
0x162: {  	v33 =	vshra.s32 v37, $0x1F;
	v34 =	vld [tilespmem:s25+$0xFFFFFFC0];
	v41 =	vor.u32 $0x80000000, v30;
	v30 =	vshrl.u32 v35, $0x16  }
0x163: {  	v33 =	vor.u32 $0x80000000, v33;
	v35 =	vshra.s32 v38, $0x1F;
	v42 =	vld [tilespmem:s25+$0xFFFFFFE0];
	v36 =	vxor.u32 v36, v41  }
0x164: {  	v35 =	vor.u32 $0x80000000, v35;
	v41 =	vshra.s32 v39, $0x1F;
	v43 =	vld [tilespmem:s25+$0x0];
	v36 =	vshrl.u32 v36, $0x16  }
0x165: {  	v41 =	vor.u32 $0x80000000, v41;
	v44 =	vshra.s32 v40, $0x1F;
	v45 =	vld [tilespmem:s25+$0x20];
	v36 =	vadd.s32 v1, v36  }
0x166: {  	v33 =	vxor.u32 v37, v33;
	v37 =	vor.u32 $0x80000000, v44;
	v44 =	vshra.s32 v32, $0x1F;
	v46 =	vld [tilespmem:s25+$0x40]  }
0x167: {  	v35 =	vxor.u32 v38, v35;
	v38 =	vor.u32 $0x80000000, v44;
	v44 =	vshra.s32 v34, $0x1F;
	v47 =	vld [tilespmem:s25+$0x60]  }
0x168: {  	v39 =	vxor.u32 v39, v41;
	v41 =	vor.u32 $0x80000000, v44;
	v44 =	vshra.s32 v42, $0x1F;
	v48 =	vld [tilespmem:s25+$0x80]  }
0x169: {  	v37 =	vxor.u32 v40, v37;
	v40 =	vor.u32 $0x80000000, v44;
	v44 =	vshra.s32 v43, $0x1F;
	v49 =	vld [tilespmem:s25+$0xA0]  }
0x16a: {  	v32 =	vxor.u32 v32, v38;
	v38 =	vor.u32 $0x80000000, v44;
	v44 =	vshra.s32 v45, $0x1F;
	[tilespmem:v36+s15+$0x0] =	vst.idx.add.s32.msk $0xffff, v4  }
0x16b: {  	v34 =	vxor.u32 v34, v41;
	v36 =	vor.u32 $0x80000000, v44;
	v41 =	vshra.s32 v46, $0x1F;
	v44 =	vld [tilespmem:s25+$0xF0]  }
0x16c: {  	v40 =	vxor.u32 v42, v40;
	v41 =	vor.u32 $0x80000000, v41;
	v42 =	vshra.s32 v47, $0x1F;
	v50 =	vld [tilespmem:s25+$0xC0]  }
0x16d: {  	v38 =	vxor.u32 v43, v38;
	v51 =	vld [tilespmem:s25+$0xFFFFFF00];
	v42 =	vor.u32 $0x80000000, v42;
	v43 =	vshra.s32 v48, $0x1F  }
0x16e: {  	v36 =	vxor.u32 v45, v36;
	v43 =	vor.u32 $0x80000000, v43;
	v45 =	vshra.s32 v49, $0x1F;
	[tilespmem:v16+s15+$0x0] =	vst.idx.add.s32.msk $0xffff, v4  }
0x16f: {  	v16 =	vxor.u32 v46, v41;
	v41 =	vxor.u32 v47, v42;
	v42 =	vor.u32 $0x80000000, v45;
	[tilespmem:v15+s15+$0x0] =	vst.idx.add.s32.msk $0xffff, v4  }
0x170: {  	v15 =	vxor.u32 v48, v43;
	v42 =	vxor.u32 v49, v42;
	v43 =	vshra.s32 v44, $0x1F;
	[tilespmem:v14+s15+$0x0] =	vst.idx.add.s32.msk $0xffff, v4  }
0x171: {  	v14 =	vshrl.u32 v33, $0x16;
	v33 =	vshra.s32 v50, $0x1F;
	v43 =	vor.u32 $0x80000000, v43;
	[tilespmem:v13+s15+$0x0] =	vst.idx.add.s32.msk $0xffff, v4  }
0x172: {  	v13 =	vshra.s32 v51, $0x1F;
	v33 =	vor.u32 $0x80000000, v33;
	v43 =	vxor.u32 v44, v43;
	[tilespmem:v12+s15+$0x0] =	vst.idx.add.s32.msk $0xffff, v4  }
0x173: {  	v12 =	vor.u32 $0x80000000, v13;
	v13 =	vxor.u32 v50, v33;
	v33 =	vshrl.u32 v43, $0x16;
	[tilespmem:v11+s15+$0x0] =	vst.idx.add.s32.msk $0xffff, v4  }
0x174: {  	v11 =	vxor.u32 v51, v12;
	v12 =	vshrl.u32 v35, $0x16;
	v33 =	vadd.s32 v5, v33;
	[tilespmem:v10+s15+$0x0] =	vst.idx.add.s32.msk $0xffff, v4  }
0x175: {  	v35 =	vshrl.u32 v37, $0x16;
	v10 =	vshrl.u32 v11, $0x16;
	v11 =	vshrl.u32 v39, $0x16;
	[tilespmem:v9+s15+$0x0] =	vst.idx.add.s32.msk $0xffff, v4  }
0x176: {  	v9 =	vshrl.u32 v32, $0x16;
	v32 =	vshrl.u32 v34, $0x16;
	v34 =	vshrl.u32 v40, $0x16;
	[tilespmem:v8+s15+$0x0] =	vst.idx.add.s32.msk $0xffff, v4  }
0x177: {  	v36 =	vshrl.u32 v36, $0x16;
	v16 =	vshrl.u32 v16, $0x16;
	v8 =	vshrl.u32 v38, $0x16;
	[tilespmem:v7+s15+$0x0] =	vst.idx.add.s32.msk $0xffff, v4  }
0x178: {  	v15 =	vshrl.u32 v15, $0x16;
	v37 =	vshrl.u32 v42, $0x16;
	v7 =	vshrl.u32 v41, $0x16;
	[tilespmem:v6+s15+$0x0] =	vst.idx.add.s32.msk $0xffff, v4  }
0x179: {  	v13 =	vshrl.u32 v13, $0x16;
	v6 =	vadd.s32 v1, v10;
	v10 =	vadd.s32 v1, v14;
	[tilespmem:v33+s15+$0x0] =	vst.idx.add.s32.msk $0xffff, v4  }
0x17a: {  	v12 =	vadd.s32 v1, v12;
	v11 =	vadd.s32 v1, v11;
	v14 =	vadd.s32 v1, v35  }
0x17b: {  	v9 =	vadd.s32 v1, v9;
	v32 =	vadd.s32 v1, v32;
	v33 =	vadd.s32 v1, v34  }
0x17c: {  	v35 =	vadd.s32 v1, v36;
	v36 =	vadd.s32 v1, v16;
	v34 =	vadd.s32 v1, v8  }
0x17d: {  	v39 =	vadd.s32 v1, v15;
	v37 =	vadd.s32 v1, v37;
	v38 =	vadd.s32 v1, v7  }
0x17e: {  	v40 =	vadd.s32 v1, v13;
	v7 =	vshrl.u32 v29, $0x16;
	[tilespmem:v6+s15+$0x0] =	vst.idx.add.s32.msk $0xffff, v4;
	v6 =	vshrl.u32 v17, $0x16  }
0x17f: {  	v27 =	vadd.s32 v5, v27;
	v29 =	vadd.s32 v5, v18;
	v17 =	vshrl.u32 v31, $0x16;
	[tilespmem:v10+s15+$0x0] =	vst.idx.add.s32.msk $0xffff, v4  }
0x180: {  	v41 =	vadd.s32 v5, v28;
	v31 =	vadd.s32 v5, v20;
	[tilespmem:v12+s15+$0x0] =	vst.idx.add.s32.msk $0xffff, v4  }
0x181: {  	v15 =	vadd.s32 v5, v23;
	v16 =	vadd.s32 v5, v22;
	[tilespmem:v11+s15+$0x0] =	vst.idx.add.s32.msk $0xffff, v4  }
0x182: {  	v13 =	vadd.s32 v5, v25;
	[tilespmem:v14+s15+$0x0] =	vst.idx.add.s32.msk $0xffff, v4;
	v14 =	vadd.s32 v5, v24  }
0x183: {  	v12 =	vadd.s32 v5, v19;
	v11 =	vadd.s32 v5, v26;
	[tilespmem:v9+s15+$0x0] =	vst.idx.add.s32.msk $0xffff, v4  }
0x184: {  	v10 =	vadd.s32 v5, v21;
	v9 =	vadd.s32 v5, v30;
	[tilespmem:v32+s15+$0x0] =	vst.idx.add.s32.msk $0xffff, v4  }
0x185: {  	v7 =	vadd.s32 v5, v7;
	v8 =	vadd.s32 v5, v6;
	[tilespmem:v33+s15+$0x0] =	vst.idx.add.s32.msk $0xffff, v4  }
0x186: {  	v6 =	vadd.s32 v5, v17;
	[tilespmem:v34+s15+$0x0] =	vst.idx.add.s32.msk $0xffff, v4  }
0x187: {  	[tilespmem:v35+s15+$0x0] =	vst.idx.add.s32.msk $0xffff, v4  }
0x188: {  	[tilespmem:v36+s15+$0x0] =	vst.idx.add.s32.msk $0xffff, v4  }
0x189: {  	[tilespmem:v38+s15+$0x0] =	vst.idx.add.s32.msk $0xffff, v4  }
0x18a: {  	[tilespmem:v39+s15+$0x0] =	vst.idx.add.s32.msk $0xffff, v4  }
0x18b: {  	[tilespmem:v37+s15+$0x0] =	vst.idx.add.s32.msk $0xffff, v4  }
0x18c: {  	[tilespmem:v40+s15+$0x0] =	vst.idx.add.s32.msk $0xffff, v4  }
0x18d: {  	v17 =	vld [tilespmem:s25+$0xFFFFFF10]  }
0x18e: {  	v19 =	vld [tilespmem:s25+$0xFFFFFF30]  }
0x18f: {  	v20 =	vld [tilespmem:s25+$0xFFFFFF50]  }
0x190: {  	v21 =	vld [tilespmem:s25+$0xFFFFFF70]  }
0x191: {  	v22 =	vld [tilespmem:s25+$0xFFFFFF90]  }
0x192: {  	v18 =	vshra.s32 v17, $0x1F;
	v23 =	vld [tilespmem:s25+$0xFFFFFFB0]  }
0x193: {  	v18 =	vor.u32 $0x80000000, v18;
	v24 =	vshra.s32 v19, $0x1F;
	v25 =	vld [tilespmem:s25+$0xFFFFFFD0]  }
0x194: {  	v18 =	vxor.u32 v17, v18;
	v17 =	vor.u32 $0x80000000, v24;
	v24 =	vshra.s32 v20, $0x1F;
	v28 =	vld [tilespmem:s25+$0xFFFFFFF0]  }
0x195: {  	v19 =	vxor.u32 v19, v17;
	v17 =	vor.u32 $0x80000000, v24;
	v24 =	vshra.s32 v21, $0x1F;
	v32 =	vld [tilespmem:s25+$0x10]  }
0x196: {  	v20 =	vxor.u32 v20, v17;
	v17 =	vor.u32 $0x80000000, v24;
	v24 =	vshra.s32 v22, $0x1F;
	v33 =	vld [tilespmem:s25+$0x30]  }
0x197: {  	v21 =	vxor.u32 v21, v17;
	v17 =	vor.u32 $0x80000000, v24;
	v24 =	vshra.s32 v23, $0x1F;
	v34 =	vld [tilespmem:s25+$0x50]  }
0x198: {  	v22 =	vxor.u32 v22, v17;
	v17 =	vor.u32 $0x80000000, v24;
	v26 =	vshra.s32 v25, $0x1F;
	v35 =	vld [tilespmem:s25+$0x70]  }
0x199: {  	v24 =	vxor.u32 v23, v17;
	v23 =	vor.u32 $0x80000000, v26;
	v26 =	vshra.s32 v28, $0x1F;
	v17 =	vld [tilespmem:s25+$0x90]  }
0x19a: {  	v25 =	vxor.u32 v25, v23;
	v23 =	vor.u32 $0x80000000, v26;
	v36 =	vshra.s32 v32, $0x1F;
	v26 =	vld [tilespmem:s25+$0xB0]  }
.Ltmp4:
0x19b: {  	v30 =	vxor.u32 v28, v23;
	v28 =	vor.u32 $0x80000000, v36;
	v36 =	vshra.s32 v33, $0x1F;
	v23 =	vld [tilespmem:s25+$0xD0];
	(pc) =	sbr.rel @p0 .LBB2_10-.Ltmp4, $4  }
0x19c: {  	v32 =	vxor.u32 v32, v28;
	v28 =	vor.u32 $0x80000000, v36;
	v36 =	vshra.s32 v34, $0x1F;
	[tilespmem:v29+s15+$0x0] =	vst.idx.add.s32.msk $0xffff, v4  }
0x19d: {  	v33 =	vxor.u32 v33, v28;
	v28 =	vor.u32 $0x80000000, v36;
	v29 =	vshra.s32 v35, $0x1F;
	[tilespmem:v27+s15+$0x0] =	vst.idx.add.s32.msk $0xffff, v4  }
0x19e: {  	v34 =	vxor.u32 v34, v28;
	v27 =	vor.u32 $0x80000000, v29;
	v28 =	vshra.s32 v17, $0x1F;
	[tilespmem:v31+s15+$0x0] =	vst.idx.add.s32.msk $0xffff, v4  }
0x19f: {  	s25 =	sadd.s32 $0x200, s25;
	v35 =	vxor.u32 v35, v27;
	v28 =	vor.u32 $0x80000000, v28;
	v27 =	vshra.s32 v26, $0x1F;
	[tilespmem:v41+s15+$0x0] =	vst.idx.add.s32.msk $0xffff, v4  }
0x1a0: {  	_ =	sdelay $0x3  }
0x1a1: {  	[tilespmem:v16+s15+$0x0] =	vst.idx.add.s32.msk $0xffff, v4  }
0x1a2: {  	[tilespmem:v15+s15+$0x0] =	vst.idx.add.s32.msk $0xffff, v4  }
0x1a3: {  	[tilespmem:v14+s15+$0x0] =	vst.idx.add.s32.msk $0xffff, v4  }
0x1a4: {  	[tilespmem:v13+s15+$0x0] =	vst.idx.add.s32.msk $0xffff, v4  }
0x1a5: {  	[tilespmem:v12+s15+$0x0] =	vst.idx.add.s32.msk $0xffff, v4  }
0x1a6: {  	v47 =	vshrl.u32 v18, $0x16;
	[tilespmem:v11+s15+$0x0] =	vst.idx.add.s32.msk $0xffff, v4  }
0x1a7: {  	v48 =	vshrl.u32 v19, $0x16;
	[tilespmem:v10+s15+$0x0] =	vst.idx.add.s32.msk $0xffff, v4;
	v49 =	vadd.s32 v5, v47  }
0x1a8: {  	v50 =	vshrl.u32 v20, $0x16;
	[tilespmem:v9+s15+$0x0] =	vst.idx.add.s32.msk $0xffff, v4;
	v51 =	vadd.s32 v5, v48  }
0x1a9: {  	v52 =	vshrl.u32 v21, $0x16;
	[tilespmem:v8+s15+$0x0] =	vst.idx.add.s32.msk $0xffff, v4;
	v53 =	vadd.s32 v5, v50  }
0x1aa: {  	v54 =	vshrl.u32 v22, $0x16;
	[tilespmem:v7+s15+$0x0] =	vst.idx.add.s32.msk $0xffff, v4;
	v7 =	vadd.s32 v5, v52  }
0x1ab: {  	v55 =	vshrl.u32 v24, $0x16;
	[tilespmem:v6+s15+$0x0] =	vst.idx.add.s32.msk $0xffff, v4;
	v6 =	vadd.s32 v5, v54  }
0x1ac: {  	v56 =	vshrl.u32 v25, $0x16;
	v11 =	vadd.s32 v5, v55;
	[tilespmem:v49+s15+$0x0] =	vst.idx.add.s32.msk $0xffff, v4  }
0x1ad: {  	v57 =	vshrl.u32 v30, $0x16;
	v12 =	vadd.s32 v5, v56;
	[tilespmem:v51+s15+$0x0] =	vst.idx.add.s32.msk $0xffff, v4  }
0x1ae: {  	v58 =	vxor.u32 v17, v28;
	v59 =	vshrl.u32 v32, $0x16;
	v10 =	vadd.s32 v5, v57;
	[tilespmem:v53+s15+$0x0] =	vst.idx.add.s32.msk $0xffff, v4  }
0x1af: {  	v60 =	vor.u32 $0x80000000, v27;
	v61 =	vshrl.u32 v33, $0x16;
	v13 =	vadd.s32 v5, v59;
	[tilespmem:v7+s15+$0x0] =	vst.idx.add.s32.msk $0xffff, v4  }
0x1b0: {  	v62 =	vshrl.u32 v34, $0x16;
	v63 =	vshrl.u32 v35, $0x16;
	v14 =	vadd.s32 v5, v61;
	[tilespmem:v6+s15+$0x0] =	vst.idx.add.s32.msk $0xffff, v4  }
0x1b1: {  	v15 =	vadd.s32 v5, v62;
	v9 =	vshrl.u32 v58, $0x16;
	v7 =	vshra.s32 v23, $0x1F;
	[tilespmem:v11+s15+$0x0] =	vst.idx.add.s32.msk $0xffff, v4  }
0x1b2: {  	v8 =	vadd.s32 v5, v63;
	v6 =	vxor.u32 v26, v60;
	[tilespmem:v12+s15+$0x0] =	vst.idx.add.s32.msk $0xffff, v4;
	v7 =	vor.u32 $0x80000000, v7  }
0x1b3: {  	v9 =	vadd.s32 v5, v9;
	[tilespmem:v10+s15+$0x0] =	vst.idx.add.s32.msk $0xffff, v4;
	v6 =	vshrl.u32 v6, $0x16;
	v7 =	vxor.u32 v23, v7  }
0x1b4: {  	s23 =	sadd.s32 $0x1, s23;
	[tilespmem:v13+s15+$0x0] =	vst.idx.add.s32.msk $0xffff, v4;
	v6 =	vadd.s32 v5, v6;
	v7 =	vshrl.u32 v7, $0x16  }
0x1b5: {  	p0 =	sne.s32 s23, $0x20;
	[tilespmem:v14+s15+$0x0] =	vst.idx.add.s32.msk $0xffff, v4;
	v7 =	vadd.s32 v5, v7  }
.Ltmp5:
0x1b6: {  	[tilespmem:v15+s15+$0x0] =	vst.idx.add.s32.msk $0xffff, v4;
	(pc) =	sbr.rel @p0 .LBB2_7-.Ltmp5, $4  }
0x1b7: {  	[tilespmem:v8+s15+$0x0] =	vst.idx.add.s32.msk $0xffff, v4  }
0x1b8: {  	[tilespmem:v9+s15+$0x0] =	vst.idx.add.s32.msk $0xffff, v4  }
0x1b9: {  	[tilespmem:v6+s15+$0x0] =	vst.idx.add.s32.msk $0xffff, v4  }
0x1ba: {  	[tilespmem:v7+s15+$0x0] =	vst.idx.add.s32.msk $0xffff, v4  }
0x1bb: {  	s23 =	simm.s32 $0x0  }
0x1bc: {  	v6 =	vadd.s32 s23, v1;
	_ =	sdelay $0x3  }
0x1bd: {  	s31 =	simm.s32 $0x1  }
0x1be: {  	v8 =	vld.idx.msk [tilespmem:v6+s15+$0x0], $0xffff;
	v6 =	vadd.s32 s31, v1;
	_ =	sdelay $0x2  }
0x1bf: {  	v7 =	vimm.s32 $0x0  }
0x1c0: {  	v9 =	vimm.s32 $0x0;
	vm0 =	vgt.s32 v7, $0x4000  }
0x1c1: {  	v11 =	vimm.s32 $0x0;
	s23 =	simm.s32 $0x2;
	vm0 =	vmmov vm0;
	v6 =	vld.idx.msk [tilespmem:v6+s15+$0x0], $0xffff;
	v10 =	vadd.s32 v7, v8  }
.LBB2_13:
0x1c2: {  	v12 =	vadd.s32 s23, v1;
	p0 =	sne.s32 s23, $0x3FF;
	s23 =	sadd.s32 $0x1, s23;
	vm1 =	vgt.s32 v10, $0x4000;
	vm2 =	vlt.s32 v10, $0x4001  }
.Ltmp6:
0x1c3: {  	vm0 =	vmor vm0, vm2;
	v13 =	vsel vm2, $0x1, v2;
	v7 =	vsel vm2, v10, v7;
	(pc) =	sbr.rel @p0 .LBB2_13-.Ltmp6, $2  }
0x1c4: {  	v9 =	vsel vm0, v9, v8;
	v11 =	vadd.s32 v13, v11;
	vm0 =	vmmov vm1;
	_ =	sdelay $0x2  }
0x1c5: {  	v10 =	vadd.s32 v10, v6;
	v8 =	vmov v6;
	v6 =	vld.idx.msk [tilespmem:v12+s15+$0x0], $0xffff  }
0x1c6: {  	_ =	sdelay $0x3  }
0x1c7: {  	vm1 =	vgt.s32 v10, $0x4000;
	vm2 =	vlt.s32 v10, $0x4001;
	v12 =	vadd.s32 v10, v6  }
0x1c8: {  	s23 =	simm.s32 $0x0;
	vm0 =	vmor vm0, vm2;
	v13 =	vsel vm2, $0x1, v2;
	vm3 =	vlt.s32 v12, $0x4001  }
0x1c9: {  	v14 =	vadd.s32 s23, v5;
	v11 =	vadd.s32 v13, v11;
	v13 =	vsel vm3, $0x1, v2  }
0x1ca: {  	v7 =	vsel vm2, v10, v7;
	vm1 =	vmmov vm1;
	v10 =	vadd.s32 v13, v11  }
0x1cb: {  	v8 =	vsel vm0, v9, v8;
	vm0 =	vmor vm1, vm3;
	v7 =	vsel vm3, v12, v7;
	[tilespmem:v0+s17+$0x0] =	vst.idx.msk $0xffff, v10  }
0x1cc: {  	v6 =	vsel vm0, v8, v6;
	[tilespmem:v0+s18+$0x0] =	vst.idx.msk $0xffff, v7  }
0x1cd: {  	s31 =	simm.s32 $0x1;
	[tilespmem:v0+s19+$0x0] =	vst.idx.msk $0xffff, v6  }
0x1ce: {  	v6 =	vadd.s32 s31, v5;
	v9 =	vld.idx.msk [tilespmem:v14+s15+$0x0], $0xffff;
	_ =	sdelay $0x2  }
0x1cf: {  	v8 =	vimm.s32 $0x0  }
0x1d0: {  	v12 =	vimm.s32 $0x0;
	vm0 =	vgt.s32 v8, $0x4000  }
0x1d1: {  	s23 =	simm.s32 $0x2;
	v10 =	vimm.s32 $0x0;
	vm0 =	vmmov vm0;
	v7 =	vld.idx.msk [tilespmem:v6+s15+$0x0], $0xffff;
	v11 =	vadd.s32 v8, v9  }
.LBB2_15:
0x1d2: {  	v6 =	vadd.s32 s23, v5;
	p0 =	sne.s32 s23, $0x3FF;
	s23 =	sadd.s32 $0x1, s23;
	vm1 =	vgt.s32 v11, $0x4000;
	vm2 =	vlt.s32 v11, $0x4001  }
.Ltmp7:
0x1d3: {  	vm0 =	vmor vm0, vm2;
	v13 =	vsel vm2, $0x1, v2;
	v8 =	vsel vm2, v11, v8;
	(pc) =	sbr.rel @p0 .LBB2_15-.Ltmp7, $2  }
0x1d4: {  	v10 =	vsel vm0, v10, v9;
	v12 =	vadd.s32 v13, v12;
	vm0 =	vmmov vm1;
	_ =	sdelay $0x2  }
0x1d5: {  	v11 =	vadd.s32 v11, v7;
	v9 =	vmov v7;
	v7 =	vld.idx.msk [tilespmem:v6+s15+$0x0], $0xffff  }
0x1d6: {  	_ =	sdelay $0x2  }
0x1d7: {  	v6 =	vor.u32 $0x10, v0  }
0x1d8: {  	vm1 =	vlt.s32 v11, $0x4001;
	v13 =	vadd.s32 v11, v7  }
0x1d9: {  	vm2 =	vgt.s32 v11, $0x4000;
	v14 =	vsel vm1, $0x1, v2;
	vm3 =	vlt.s32 v13, $0x4001  }
0x1da: {  	vm0 =	vmor vm0, vm1;
	v12 =	vadd.s32 v14, v12;
	v14 =	vsel vm3, $0x1, v2  }
0x1db: {  	v8 =	vsel vm1, v11, v8;
	vm14 =	vmmov vm2;
	v11 =	vadd.s32 v14, v12  }
0x1dc: {  	v9 =	vsel vm0, v10, v9;
	vm15 =	vmor vm14, vm3;
	v8 =	vsel vm3, v13, v8;
	[tilespmem:v6+s17+$0x0] =	vst.idx.msk $0xffff, v11  }
0x1dd: {  	v7 =	vsel vm15, v9, v7;
	[tilespmem:v6+s18+$0x0] =	vst.idx.msk $0xffff, v8  }
0x1de: {  	[tilespmem:v6+s19+$0x0] =	vst.idx.msk $0xffff, v7  }
0x1df: {  	v8 =	vld.idx.msk [tilespmem:v6+s17+$0x0], $0xffff  }
0x1e0: {  	s23 =	simm.s32 $0x0  }
0x1e1: {  	v15 =	vimm.s32 $0x0;
	v14 =	vimm.s32 $0x0;
	v7 =	vld.idx.msk [tilespmem:v0+s17+$0x0], $0xffff;
	[tilespmem:s23], [sflag:$0x1] =	stream.strided.gather [hbm4b:s9+s11], $0x4000, s12, s11, $0x38  }
.LBB2_17:
0x1e2: {  	s24 =	smul.u32 $0xC0000, s23;
	_ =	sdelay $0x1  }
0x1e3: {  	s25 =	sadd.s32 s4, s24  }
0x1e4: {  	s25 =	sshrl.u32 s25, $0x3  }
0x1e5: {  	s25 =	sadd.s32 s2, s25  }
0x1e6: {  	[tilespmem:s13], [sflag:$0x2] =	stream.strided.gather [hbm4b:s25+s11], $0x4000, s12, s11, $0x38;
	[tilespmem:$0x14090] =	vst v63  }
0x1e7: {  	_ =	swait.ge [sflag:s14], $0x4000  }
0x1e8: {  	[sflag:s14] =	ssyncset.done $0x0  }
0x1e9: {  	s31 =	simm.s32 $0x80;
	[sflag:s14] =	ssyncadd.s32 $0xFFFFC000  }
0x1ea: {  	v9 =	vld [tilespmem:s31+$0xFFFFFFA0]  }
0x1eb: {  	v12 =	vld [tilespmem:s31+$0x60]  }
0x1ec: {  	v16 =	vld [tilespmem:s31+$0x20]  }
0x1ed: {  	v11 =	vld [tilespmem:s31+$0x0]  }
0x1ee: {  	v10 =	vld [tilespmem:s31+$0xFFFFFF80]  }
0x1ef: {  	v21 =	vld [tilespmem:s31+$0xFFFFFFC0]  }
0x1f0: {  	vm1 =	vlt.s32 v14, $0x200  }
0x1f1: {  	v18 =	vshll.u32 v14, $0x5;
	vm0 =	vlt.s32 v15, $0x200;
	v27 =	vshll.u32 v15, $0x5  }
0x1f2: {  	v18 =	vor.u32 v0, v18;
	v27 =	vor.u32 v6, v27;
	v13 =	vshra.s32 v9, $0x1F  }
0x1f3: {  	v19 =	vshra.s32 v12, $0x1F;
	v20 =	vshra.s32 v16, $0x1F;
	v22 =	vshra.s32 v11, $0x1F  }
0x1f4: {  	v17 =	vld [tilespmem:s31+$0xFFFFFFE0];
	v23 =	vshra.s32 v10, $0x1F;
	v25 =	vshra.s32 v21, $0x1F;
	v13 =	vor.u32 $0x80000000, v13  }
0x1f5: {  	v19 =	vor.u32 $0x80000000, v19;
	v20 =	vor.u32 $0x80000000, v20;
	v22 =	vor.u32 $0x80000000, v22  }
0x1f6: {  	v13 =	vxor.u32 v9, v13;
	v20 =	vxor.u32 v16, v20;
	v19 =	vxor.u32 v12, v19  }
0x1f7: {  	v13 =	vshrl.u32 v13, $0x16;
	v20 =	vshrl.u32 v20, $0x16;
	v19 =	vshrl.u32 v19, $0x16  }
0x1f8: {  	vm2 =	veq.s32 v13, v7;
	v13 =	vxor.u32 v11, v22;
	v22 =	vor.u32 $0x80000000, v23  }
0x1f9: {  	v23 =	vshra.s32 v17, $0x1F;
	v24 =	vsel vm2, $0x1, v2;
	v22 =	vxor.u32 v10, v22  }
0x1fa: {  	v23 =	vor.u32 $0x80000000, v23;
	v13 =	vshrl.u32 v13, $0x16;
	v22 =	vshrl.u32 v22, $0x16  }
0x1fb: {  	v23 =	vxor.u32 v17, v23;
	vm8 =	veq.s32 v13, v7;
	vm3 =	veq.s32 v22, v7  }
0x1fc: {  	v22 =	vor.u32 $0x80000000, v25;
	v25 =	vld [tilespmem:s31+$0x40];
	v23 =	vshrl.u32 v23, $0x16;
	v26 =	vsel vm3, $0x1, v2  }
0x1fd: {  	v22 =	vxor.u32 v21, v22;
	vm3 =	vmand vm1, vm3;
	vm4 =	veq.s32 v23, v7  }
0x1fe: {  	vm1 =	veq.s32 v20, v7;
	v22 =	vshrl.u32 v22, $0x16;
	v14 =	vadd.s32 v26, v14  }
0x1ff: {  	vm5 =	veq.s32 v22, v7;
	v20 =	vshll.u32 v14, $0x5;
	v22 =	vadd.s32 v24, v14  }
0x200: {  	vm6 =	vlt.s32 v14, $0x200;
	v14 =	vsel vm8, $0x1, v2;
	v23 =	vsel vm5, $0x1, v2  }
0x201: {  	v20 =	vor.u32 v0, v20;
	vm2 =	vmand vm6, vm2;
	v24 =	vshra.s32 v25, $0x1F  }
0x202: {  	v13 =	vshll.u32 v22, $0x5;
	v23 =	vadd.s32 v23, v22;
	v24 =	vor.u32 $0x80000000, v24  }
0x203: {  	v13 =	vor.u32 v0, v13;
	[tilespmem:v18+s20+$0x0] =	vst.idx.msk vm3, v10;
	vm3 =	vlt.s32 v22, $0x200;
	v10 =	vxor.u32 v25, v24  }
0x204: {  	v18 =	vsel vm4, $0x1, v2;
	v26 =	vld [tilespmem:s31+$0xFFFFFF90];
	v10 =	vshrl.u32 v10, $0x16;
	vm5 =	vmand vm3, vm5  }
0x205: {  	vm7 =	vlt.s32 v23, $0x200;
	vm6 =	veq.s32 v10, v7;
	v10 =	vadd.s32 v18, v23  }
0x206: {  	vm3 =	vmand vm7, vm4;
	v23 =	vshll.u32 v23, $0x5;
	vm4 =	vlt.s32 v10, $0x200  }
0x207: {  	v24 =	vshll.u32 v10, $0x5;
	[tilespmem:v20+s20+$0x0] =	vst.idx.msk vm2, v9;
	v23 =	vor.u32 v0, v23;
	vm4 =	vmand vm4, vm8  }
0x208: {  	v22 =	vsel vm1, $0x1, v2;
	v10 =	vadd.s32 v14, v10;
	v20 =	vor.u32 v0, v24;
	v9 =	vld [tilespmem:s31+$0xFFFFFFB0]  }
0x209: {  	v18 =	vsel vm6, $0x1, v2;
	v22 =	vadd.s32 v22, v10;
	v28 =	vshra.s32 v26, $0x1F  }
0x20a: {  	vm2 =	vlt.s32 v22, $0x200;
	v24 =	vadd.s32 v18, v22;
	v14 =	vor.u32 $0x80000000, v28;
	[tilespmem:v13+s20+$0x0] =	vst.idx.msk vm5, v21  }
0x20b: {  	vm5 =	vlt.s32 v10, $0x200;
	v13 =	vshll.u32 v10, $0x5;
	v14 =	vxor.u32 v26, v14;
	v10 =	vld [tilespmem:s31+$0xFFFFFFD0]  }
0x20c: {  	vm2 =	vmand vm2, vm6;
	v18 =	vshll.u32 v24, $0x5;
	[tilespmem:v23+s20+$0x0] =	vst.idx.msk vm3, v17;
	v14 =	vshrl.u32 v14, $0x16  }
0x20d: {  	vm3 =	vmand vm5, vm1;
	vm7 =	veq.s32 v14, v8;
	[tilespmem:v20+s20+$0x0] =	vst.idx.msk vm4, v11;
	v11 =	vshra.s32 v9, $0x1F  }
0x20e: {  	v14 =	vor.u32 v0, v13;
	v20 =	vshll.u32 v22, $0x5;
	v11 =	vor.u32 $0x80000000, v11  }
0x20f: {  	vm5 =	veq.s32 v19, v7;
	v13 =	vld [tilespmem:s31+$0x10];
	v20 =	vor.u32 v0, v20;
	v17 =	vxor.u32 v9, v11  }
0x210: {  	v21 =	vsel vm7, $0x1, v2;
	v11 =	vld [tilespmem:s31+$0xFFFFFFF0];
	v17 =	vshrl.u32 v17, $0x16;
	v19 =	vshra.s32 v10, $0x1F  }
0x211: {  	vm4 =	vmand vm0, vm7;
	vm0 =	veq.s32 v17, v8;
	v19 =	vor.u32 $0x80000000, v19  }
0x212: {  	v17 =	vadd.s32 v21, v15;
	v21 =	vor.u32 v0, v18;
	v15 =	vsel vm0, $0x1, v2  }
0x213: {  	v19 =	vxor.u32 v10, v19;
	[tilespmem:v14+s20+$0x0] =	vst.idx.msk vm3, v16;
	vm3 =	vlt.s32 v24, $0x200;
	v18 =	vadd.s32 v15, v17  }
0x214: {  	v15 =	vshrl.u32 v19, $0x16;
	v19 =	vshra.s32 v13, $0x1F;
	[tilespmem:v20+s20+$0x0] =	vst.idx.msk vm2, v25;
	vm2 =	vmand vm3, vm5  }
0x215: {  	vm1 =	veq.s32 v15, v8;
	v15 =	vshra.s32 v11, $0x1F;
	v63 =	vshll.u32 v18, $0x5;
	v16 =	vld [tilespmem:s31+$0x50]  }
0x216: {  	v14 =	vor.u32 $0x80000000, v15;
	v15 =	vor.u32 $0x80000000, v19;
	v22 =	vsel vm1, $0x1, v2  }
0x217: {  	v19 =	vld [tilespmem:s31+$0x30];
	v14 =	vxor.u32 v11, v14;
	v15 =	vxor.u32 v13, v15;
	v20 =	vadd.s32 v22, v18  }
0x218: {  	v14 =	vshrl.u32 v14, $0x16;
	v15 =	vshrl.u32 v15, $0x16;
	v29 =	vshll.u32 v20, $0x5  }
0x219: {  	vm6 =	veq.s32 v14, v8;
	v14 =	vsel vm5, $0x1, v2;
	vm3 =	veq.s32 v15, v8  }
0x21a: {  	vm5 =	vlt.s32 v20, $0x200;
	v22 =	vsel vm6, $0x1, v2;
	v25 =	vshra.s32 v16, $0x1F  }
0x21b: {  	[tilespmem:v21+s20+$0x0] =	vst.idx.msk vm2, v12;
	vm2 =	vmand vm5, vm6;
	v14 =	vadd.s32 v14, v24;
	v24 =	vor.u32 v6, v63  }
0x21c: {  	v15 =	vadd.s32 v22, v20;
	v22 =	vsel vm3, $0x1, v2;
	v23 =	vshra.s32 v19, $0x1F  }
0x21d: {  	v25 =	vor.u32 $0x80000000, v25;
	vm7 =	vlt.s32 v15, $0x200;
	v22 =	vadd.s32 v22, v15  }
0x21e: {  	v23 =	vor.u32 $0x80000000, v23;
	v21 =	vxor.u32 v16, v25;
	v15 =	vshll.u32 v15, $0x5  }
0x21f: {  	v20 =	vld [tilespmem:s31+$0x70];
	vm3 =	vmand vm7, vm3;
	v23 =	vxor.u32 v19, v23;
	v12 =	vshll.u32 v22, $0x5  }
0x220: {  	v25 =	vor.u32 v6, v12;
	v12 =	vshrl.u32 v21, $0x16;
	v21 =	vshrl.u32 v23, $0x16  }
0x221: {  	[tilespmem:v27+s20+$0x0] =	vst.idx.msk vm4, v26;
	vm7 =	vlt.s32 v22, $0x200;
	v26 =	vor.u32 v6, v15;
	vm8 =	veq.s32 v21, v8  }
0x222: {  	vm5 =	veq.s32 v12, v8;
	vm6 =	vmand vm7, vm8;
	v21 =	vsel vm8, $0x1, v2  }
0x223: {  	v23 =	vor.u32 v6, v29;
	v12 =	vsel vm5, $0x1, v2;
	v21 =	vadd.s32 v21, v22  }
0x224: {  	vm7 =	vlt.s32 v17, $0x200;
	v22 =	vadd.s32 v12, v21;
	v12 =	vshra.s32 v20, $0x1F  }
0x225: {  	s26 =	simm.s32 $0x180;
	s25 =	simm.s32 $0x0;
	vm8 =	vlt.s32 v21, $0x200;
	v15 =	vshll.u32 v21, $0x5;
	v12 =	vor.u32 $0x80000000, v12  }
.LBB2_18:
0x226: {  	v21 =	vld [tilespmem:s26+$0xFFFFFFA0];
	s25 =	sadd.s32 $0x8, s25;
	vm4 =	vlt.s32 v18, $0x200;
	v18 =	vxor.u32 v20, v12;
	vm10 =	vlt.s32 v22, $0x200  }
0x227: {  	v27 =	vor.u32 v6, v15;
	v12 =	vld [tilespmem:s26+$0x60];
	p0 =	slt.u32 s25, $0x1F8;
	vm9 =	vmand vm4, vm1;
	v18 =	vshrl.u32 v18, $0x16  }
0x228: {  	v17 =	vshll.u32 v17, $0x5;
	v15 =	vld [tilespmem:s26+$0x20];
	[tilespmem:v25+s20+$0x0] =	vst.idx.msk vm6, v19;
	vm6 =	vmand vm8, vm5;
	vm1 =	veq.s32 v18, v8  }
0x229: {  	vm5 =	vmand vm7, vm0;
	v19 =	vld [tilespmem:s26+$0x0];
	vm4 =	vmand vm10, vm1;
	v25 =	vsel vm1, $0x1, v2  }
0x22a: {  	v28 =	vor.u32 v6, v17;
	vm1 =	vlt.s32 v14, $0x200;
	v18 =	vld [tilespmem:s26+$0xFFFFFFE0];
	[tilespmem:v26+s20+$0x0] =	vst.idx.msk vm3, v13;
	v13 =	vshll.u32 v22, $0x5  }
0x22b: {  	v29 =	vshll.u32 v14, $0x5;
	v26 =	vld [tilespmem:s26+$0xFFFFFF80];
	v17 =	vshra.s32 v21, $0x1F;
	v13 =	vor.u32 v6, v13  }
0x22c: {  	v30 =	vor.u32 $0x80000000, v17;
	v31 =	vshra.s32 v12, $0x1F;
	[tilespmem:v23+s20+$0x0] =	vst.idx.msk vm2, v11;
	v17 =	vadd.s32 v25, v22  }
0x22d: {  	v11 =	vxor.u32 v21, v30;
	v22 =	vshra.s32 v15, $0x1F;
	v23 =	vor.u32 $0x80000000, v31;
	[tilespmem:v24+s20+$0x0] =	vst.idx.msk vm9, v10  }
0x22e: {  	vm0 =	vlt.s32 v17, $0x200;
	v10 =	vld [tilespmem:s26+$0xFFFFFFC0];
	v24 =	vshra.s32 v19, $0x1F;
	v22 =	vor.u32 $0x80000000, v22;
	[tilespmem:v27+s20+$0x0] =	vst.idx.msk vm6, v16  }
0x22f: {  	v25 =	vor.u32 v0, v29;
	v11 =	vshrl.u32 v11, $0x16;
	v16 =	vor.u32 $0x80000000, v24;
	[tilespmem:v28+s20+$0x0] =	vst.idx.msk vm5, v9  }
0x230: {  	vm2 =	veq.s32 v11, v7;
	v9 =	vshra.s32 v26, $0x1F;
	v11 =	vxor.u32 v19, v16;
	[tilespmem:v13+s20+$0x0] =	vst.idx.msk vm4, v20  }
0x231: {  	v13 =	vsel vm2, $0x1, v2;
	v16 =	vshra.s32 v18, $0x1F;
	v9 =	vor.u32 $0x80000000, v9  }
0x232: {  	v20 =	vxor.u32 v15, v22;
	v16 =	vor.u32 $0x80000000, v16;
	v9 =	vxor.u32 v26, v9  }
0x233: {  	v24 =	vxor.u32 v18, v16;
	v9 =	vshrl.u32 v9, $0x16;
	v22 =	vshra.s32 v10, $0x1F;
	v16 =	vld [tilespmem:s26+$0x40]  }
0x234: {  	vm3 =	veq.s32 v9, v7;
	v9 =	vor.u32 $0x80000000, v22;
	v22 =	vshrl.u32 v24, $0x16  }
0x235: {  	v20 =	vshrl.u32 v20, $0x16;
	v24 =	vsel vm3, $0x1, v2;
	v9 =	vxor.u32 v10, v9  }
0x236: {  	v27 =	vshll.u32 v17, $0x5;
	vm4 =	vmand vm1, vm3;
	v9 =	vshrl.u32 v9, $0x16  }
0x237: {  	v11 =	vshrl.u32 v11, $0x16;
	vm3 =	veq.s32 v22, v7;
	vm1 =	veq.s32 v20, v7  }
0x238: {  	v14 =	vadd.s32 v24, v14;
	vm5 =	veq.s32 v9, v7;
	v9 =	vshra.s32 v16, $0x1F  }
0x239: {  	v20 =	vshll.u32 v14, $0x5;
	v13 =	vadd.s32 v13, v14;
	v22 =	vsel vm5, $0x1, v2  }
0x23a: {  	v20 =	vor.u32 v0, v20;
	v22 =	vadd.s32 v22, v13;
	v9 =	vor.u32 $0x80000000, v9  }
0x23b: {  	vm8 =	veq.s32 v11, v7;
	vm6 =	vlt.s32 v14, $0x200;
	vm7 =	vlt.s32 v22, $0x200  }
0x23c: {  	v9 =	vxor.u32 v16, v9;
	[tilespmem:v25+s20+$0x0] =	vst.idx.msk vm4, v26;
	vm4 =	vmand vm6, vm2;
	vm6 =	vlt.s32 v13, $0x200  }
0x23d: {  	v11 =	vshll.u32 v13, $0x5;
	v9 =	vshrl.u32 v9, $0x16;
	v13 =	vsel vm8, $0x1, v2;
	v14 =	vld [tilespmem:s26+$0xFFFFFF90]  }
0x23e: {  	v24 =	vsel vm3, $0x1, v2;
	v25 =	vsel vm1, $0x1, v2;
	vm2 =	veq.s32 v9, v7  }
0x23f: {  	vm3 =	vmand vm7, vm3;
	v9 =	vadd.s32 v24, v22;
	vm5 =	vmand vm6, vm5  }
0x240: {  	v11 =	vor.u32 v0, v11;
	vm6 =	vlt.s32 v9, $0x200;
	v24 =	vsel vm2, $0x1, v2  }
0x241: {  	v23 =	vxor.u32 v12, v23;
	v26 =	vshll.u32 v9, $0x5;
	vm6 =	vmand vm6, vm8  }
0x242: {  	v13 =	vadd.s32 v13, v9;
	v28 =	vshra.s32 v14, $0x1F;
	[tilespmem:v20+s20+$0x0] =	vst.idx.msk vm4, v21;
	v20 =	vor.u32 v0, v26  }
0x243: {  	v23 =	vshrl.u32 v23, $0x16;
	v22 =	vshll.u32 v22, $0x5;
	v21 =	vor.u32 $0x80000000, v28;
	v9 =	vld [tilespmem:s26+$0xFFFFFFB0]  }
0x244: {  	v22 =	vor.u32 v0, v22;
	v25 =	vadd.s32 v25, v13;
	v21 =	vxor.u32 v14, v21  }
0x245: {  	vm4 =	vlt.s32 v13, $0x200;
	v21 =	vshrl.u32 v21, $0x16;
	[tilespmem:v11+s20+$0x0] =	vst.idx.msk vm5, v10;
	v11 =	vshll.u32 v13, $0x5  }
0x246: {  	vm7 =	vlt.s32 v25, $0x200;
	vm5 =	veq.s32 v21, v8;
	v10 =	vld [tilespmem:s26+$0xFFFFFFD0];
	v21 =	vor.u32 v0, v11  }
0x247: {  	v24 =	vadd.s32 v24, v25;
	vm2 =	vmand vm7, vm2;
	v26 =	vsel vm5, $0x1, v2;
	[tilespmem:v20+s20+$0x0] =	vst.idx.msk vm6, v19  }
0x248: {  	vm5 =	vmand vm0, vm5;
	v19 =	vshll.u32 v24, $0x5;
	v11 =	vshra.s32 v9, $0x1F  }
0x249: {  	vm4 =	vmand vm4, vm1;
	v20 =	vor.u32 v6, v27;
	v11 =	vor.u32 $0x80000000, v11;
	[tilespmem:v22+s20+$0x0] =	vst.idx.msk vm3, v18;
	v13 =	vld [tilespmem:s26+$0x10]  }
0x24a: {  	vm3 =	veq.s32 v23, v7;
	v22 =	vor.u32 v0, v19;
	v18 =	vxor.u32 v9, v11;
	v11 =	vld [tilespmem:s26+$0xFFFFFFF0]  }
0x24b: {  	v23 =	vshll.u32 v25, $0x5;
	v18 =	vshrl.u32 v18, $0x16;
	v19 =	vshra.s32 v10, $0x1F  }
0x24c: {  	v23 =	vor.u32 v0, v23;
	vm0 =	veq.s32 v18, v8;
	v18 =	vor.u32 $0x80000000, v19  }
0x24d: {  	v17 =	vadd.s32 v26, v17;
	v19 =	vsel vm0, $0x1, v2;
	v25 =	vxor.u32 v10, v18  }
0x24e: {  	[tilespmem:v20+s20+$0x0] =	vst.idx.msk vm5, v14;
	v18 =	vadd.s32 v19, v17;
	v14 =	vshrl.u32 v25, $0x16;
	v19 =	vshra.s32 v13, $0x1F  }
0x24f: {  	vm1 =	veq.s32 v14, v8;
	v14 =	vshra.s32 v11, $0x1F;
	[tilespmem:v21+s20+$0x0] =	vst.idx.msk vm4, v15;
	vm4 =	vlt.s32 v24, $0x200  }
0x250: {  	v19 =	vor.u32 $0x80000000, v19;
	v15 =	vsel vm1, $0x1, v2;
	v14 =	vor.u32 $0x80000000, v14  }
0x251: {  	v21 =	vshll.u32 v18, $0x5;
	v20 =	vxor.u32 v13, v19;
	v14 =	vxor.u32 v11, v14;
	v19 =	vld [tilespmem:s26+$0x30];
	[tilespmem:v23+s20+$0x0] =	vst.idx.msk vm2, v16  }
0x252: {  	v20 =	vshrl.u32 v20, $0x16;
	vm2 =	vmand vm4, vm3;
	v14 =	vshrl.u32 v14, $0x16;
	v16 =	vld [tilespmem:s26+$0x50]  }
0x253: {  	vm4 =	veq.s32 v14, v8;
	v14 =	vsel vm3, $0x1, v2  }
0x254: {  	v15 =	vadd.s32 v15, v18;
	vm3 =	veq.s32 v20, v8;
	v23 =	vsel vm4, $0x1, v2  }
0x255: {  	vm5 =	vlt.s32 v15, $0x200;
	v20 =	vsel vm3, $0x1, v2;
	v23 =	vadd.s32 v23, v15  }
0x256: {  	vm6 =	vlt.s32 v23, $0x200;
	v26 =	vadd.s32 v20, v23;
	v20 =	vshra.s32 v19, $0x1F  }
0x257: {  	v20 =	vor.u32 $0x80000000, v20;
	vm7 =	vlt.s32 v26, $0x200;
	v25 =	vshra.s32 v16, $0x1F  }
0x258: {  	vm3 =	vmand vm6, vm3;
	v27 =	vxor.u32 v19, v20;
	v20 =	vor.u32 $0x80000000, v25;
	[tilespmem:v22+s20+$0x0] =	vst.idx.msk vm2, v12  }
0x259: {  	vm2 =	vmand vm5, vm4;
	v12 =	vshll.u32 v26, $0x5;
	v20 =	vxor.u32 v16, v20  }
0x25a: {  	v15 =	vshll.u32 v15, $0x5;
	v25 =	vor.u32 v6, v12;
	v12 =	vshrl.u32 v20, $0x16;
	v20 =	vld [tilespmem:s26+$0x70]  }
0x25b: {  	v28 =	vshll.u32 v23, $0x5;
	v22 =	vshrl.u32 v27, $0x16;
	vm5 =	veq.s32 v12, v8  }
.Ltmp8:
0x25c: {  	v23 =	vor.u32 v6, v15;
	vm4 =	veq.s32 v22, v8;
	v12 =	vsel vm5, $0x1, v2;
	(pc) =	sbr.rel @p0 .LBB2_18-.Ltmp8, $4  }
0x25d: {  	v14 =	vadd.s32 v14, v24;
	vm6 =	vmand vm7, vm4;
	v15 =	vsel vm4, $0x1, v2  }
0x25e: {  	v24 =	vor.u32 v6, v21;
	vm7 =	vlt.s32 v17, $0x200;
	v15 =	vadd.s32 v15, v26  }
0x25f: {  	vm8 =	vlt.s32 v15, $0x200;
	v22 =	vadd.s32 v12, v15;
	v12 =	vshra.s32 v20, $0x1F  }
0x260: {  	s26 =	sadd.s32 $0x100, s26;
	v26 =	vor.u32 v6, v28;
	v15 =	vshll.u32 v15, $0x5;
	v12 =	vor.u32 $0x80000000, v12  }
0x261: {  	_ = 	snop  }
0x262: {  	vm4 =	vlt.s32 v18, $0x200  }
0x263: {  	v12 =	vxor.u32 v20, v12;
	vm9 =	vlt.s32 v22, $0x200;
	vm1 =	vmand vm4, vm1  }
0x264: {  	v15 =	vor.u32 v6, v15;
	v12 =	vshrl.u32 v12, $0x16;
	vm4 =	vmand vm8, vm5  }
0x265: {  	v17 =	vshll.u32 v17, $0x5;
	vm0 =	vmand vm7, vm0;
	vm5 =	veq.s32 v12, v8  }
0x266: {  	[tilespmem:v25+s20+$0x0] =	vst.idx.msk vm6, v19;
	v12 =	vor.u32 v6, v17;
	v17 =	vshll.u32 v22, $0x5;
	vm6 =	vmand vm9, vm5  }
0x267: {  	[tilespmem:v26+s20+$0x0] =	vst.idx.msk vm3, v13;
	v13 =	vor.u32 v6, v17  }
0x268: {  	[tilespmem:v23+s20+$0x0] =	vst.idx.msk vm2, v11  }
0x269: {  	p0 =	seq.s32 s23, $0x1F;
	[tilespmem:v24+s20+$0x0] =	vst.idx.msk vm1, v10  }
0x26a: {  	s24 =	sadd.s32 @!p0 s5, s24;
	[tilespmem:v15+s20+$0x0] =	vst.idx.msk vm4, v16  }
0x26b: {  	s25 =	simm.s32 @!p0 $0x20;
	s24 =	sshrl.u32 @!p0 s24, $0x3;
	[tilespmem:v12+s20+$0x0] =	vst.idx.msk vm0, v9  }
0x26c: {  	s26 =	simm.s32 @!p0 $0x300;
	s28 =	simm.s32 @!p0 $0x0;
	s24 =	sadd.s32 @!p0 s2, s24;
	[tilespmem:v13+s20+$0x0] =	vst.idx.msk vm6, v20  }
0x26d: {  	[tilespmem:s28], [sflag:$0x1] =	stream.strided.gather @!p0 [hbm4b:s24+s25], $0x4000, s26, s25, $0x38;
	[tilespmem:$0x14090] =	vst v63  }
0x26e: {  	_ =	swait.ge [sflag:s16], $0x4000  }
0x26f: {  	[sflag:s16] =	ssyncset.done $0x0  }
0x270: {  	s31 =	simm.s32 $0x4080;
	[sflag:s16] =	ssyncadd.s32 $0xFFFFC000  }
0x271: {  	v9 =	vld [tilespmem:s31+$0xFFFFFFA0]  }
0x272: {  	v12 =	vld [tilespmem:s31+$0x60]  }
0x273: {  	v15 =	vld [tilespmem:s31+$0x20]  }
0x274: {  	v10 =	vsel vm5, $0x1, v2;
	v11 =	vld [tilespmem:s31+$0x0]  }
0x275: {  	v16 =	vadd.s32 v10, v22;
	v10 =	vld [tilespmem:s31+$0xFFFFFF80]  }
0x276: {  	v21 =	vld [tilespmem:s31+$0xFFFFFFC0]  }
0x277: {  	v18 =	vshll.u32 v14, $0x5  }
0x278: {  	v18 =	vor.u32 v0, v18;
	vm1 =	vlt.s32 v14, $0x200;
	v27 =	vshll.u32 v16, $0x5  }
0x279: {  	vm0 =	vlt.s32 v16, $0x200;
	v27 =	vor.u32 v6, v27;
	v13 =	vshra.s32 v9, $0x1F  }
0x27a: {  	v19 =	vshra.s32 v12, $0x1F;
	v20 =	vshra.s32 v15, $0x1F;
	v22 =	vshra.s32 v11, $0x1F  }
0x27b: {  	v17 =	vld [tilespmem:s31+$0xFFFFFFE0];
	v23 =	vshra.s32 v10, $0x1F;
	v25 =	vshra.s32 v21, $0x1F;
	v13 =	vor.u32 $0x80000000, v13  }
0x27c: {  	v19 =	vor.u32 $0x80000000, v19;
	v20 =	vor.u32 $0x80000000, v20;
	v22 =	vor.u32 $0x80000000, v22  }
0x27d: {  	v13 =	vxor.u32 v9, v13;
	v20 =	vxor.u32 v15, v20;
	v19 =	vxor.u32 v12, v19  }
0x27e: {  	v13 =	vshrl.u32 v13, $0x16;
	v20 =	vshrl.u32 v20, $0x16;
	v19 =	vshrl.u32 v19, $0x16  }
0x27f: {  	vm2 =	veq.s32 v13, v7;
	v13 =	vxor.u32 v11, v22;
	v22 =	vor.u32 $0x80000000, v23  }
0x280: {  	v23 =	vshra.s32 v17, $0x1F;
	v24 =	vsel vm2, $0x1, v2;
	v22 =	vxor.u32 v10, v22  }
0x281: {  	v23 =	vor.u32 $0x80000000, v23;
	v13 =	vshrl.u32 v13, $0x16;
	v22 =	vshrl.u32 v22, $0x16  }
0x282: {  	v23 =	vxor.u32 v17, v23;
	vm8 =	veq.s32 v13, v7;
	vm3 =	veq.s32 v22, v7  }
0x283: {  	v22 =	vor.u32 $0x80000000, v25;
	v25 =	vld [tilespmem:s31+$0x40];
	v23 =	vshrl.u32 v23, $0x16;
	v26 =	vsel vm3, $0x1, v2  }
0x284: {  	v22 =	vxor.u32 v21, v22;
	vm3 =	vmand vm1, vm3;
	vm4 =	veq.s32 v23, v7  }
0x285: {  	vm1 =	veq.s32 v20, v7;
	v22 =	vshrl.u32 v22, $0x16;
	v14 =	vadd.s32 v26, v14  }
0x286: {  	vm5 =	veq.s32 v22, v7;
	v20 =	vshll.u32 v14, $0x5;
	v22 =	vadd.s32 v24, v14  }
0x287: {  	vm6 =	vlt.s32 v14, $0x200;
	v14 =	vsel vm8, $0x1, v2;
	v23 =	vsel vm5, $0x1, v2  }
0x288: {  	v20 =	vor.u32 v0, v20;
	vm2 =	vmand vm6, vm2;
	v24 =	vshra.s32 v25, $0x1F  }
0x289: {  	v13 =	vshll.u32 v22, $0x5;
	v23 =	vadd.s32 v23, v22;
	v24 =	vor.u32 $0x80000000, v24  }
0x28a: {  	v13 =	vor.u32 v0, v13;
	vm7 =	vlt.s32 v23, $0x200;
	[tilespmem:v18+s20+$0x0] =	vst.idx.msk vm3, v10;
	v10 =	vxor.u32 v25, v24  }
0x28b: {  	vm3 =	vlt.s32 v22, $0x200;
	v18 =	vsel vm4, $0x1, v2;
	v26 =	vld [tilespmem:s31+$0xFFFFFF90];
	v10 =	vshrl.u32 v10, $0x16  }
0x28c: {  	vm5 =	vmand vm3, vm5;
	vm6 =	veq.s32 v10, v7;
	v10 =	vadd.s32 v18, v23  }
0x28d: {  	vm3 =	vmand vm7, vm4;
	v23 =	vshll.u32 v23, $0x5;
	vm4 =	vlt.s32 v10, $0x200  }
0x28e: {  	v24 =	vshll.u32 v10, $0x5;
	[tilespmem:v20+s20+$0x0] =	vst.idx.msk vm2, v9;
	v23 =	vor.u32 v0, v23;
	vm4 =	vmand vm4, vm8  }
0x28f: {  	v22 =	vsel vm1, $0x1, v2;
	v10 =	vadd.s32 v14, v10;
	v20 =	vor.u32 v0, v24;
	v9 =	vld [tilespmem:s31+$0xFFFFFFB0]  }
0x290: {  	v18 =	vsel vm6, $0x1, v2;
	v22 =	vadd.s32 v22, v10;
	v28 =	vshra.s32 v26, $0x1F  }
0x291: {  	vm2 =	vlt.s32 v22, $0x200;
	v63 =	vadd.s32 v18, v22;
	v14 =	vor.u32 $0x80000000, v28  }
0x292: {  	vm2 =	vmand vm2, vm6;
	v18 =	vshll.u32 v63, $0x5;
	[tilespmem:v13+s20+$0x0] =	vst.idx.msk vm5, v21;
	v14 =	vxor.u32 v26, v14  }
0x293: {  	vm5 =	vlt.s32 v10, $0x200;
	v13 =	vshll.u32 v10, $0x5;
	v10 =	vld [tilespmem:s31+$0xFFFFFFD0];
	[tilespmem:v23+s20+$0x0] =	vst.idx.msk vm3, v17;
	v14 =	vshrl.u32 v14, $0x16  }
0x294: {  	vm3 =	vmand vm5, vm1;
	vm7 =	veq.s32 v14, v8;
	[tilespmem:v20+s20+$0x0] =	vst.idx.msk vm4, v11;
	v11 =	vshra.s32 v9, $0x1F  }
0x295: {  	v14 =	vor.u32 v0, v13;
	v20 =	vshll.u32 v22, $0x5;
	v11 =	vor.u32 $0x80000000, v11  }
0x296: {  	vm5 =	veq.s32 v19, v7;
	v13 =	vld [tilespmem:s31+$0x10];
	v20 =	vor.u32 v0, v20;
	v17 =	vxor.u32 v9, v11  }
0x297: {  	v21 =	vsel vm7, $0x1, v2;
	vm4 =	vmand vm0, vm7;
	v11 =	vld [tilespmem:s31+$0xFFFFFFF0];
	v17 =	vshrl.u32 v17, $0x16  }
0x298: {  	v16 =	vadd.s32 v21, v16;
	v19 =	vshra.s32 v10, $0x1F;
	vm0 =	veq.s32 v17, v8  }
0x299: {  	v21 =	vor.u32 v0, v18;
	v17 =	vor.u32 $0x80000000, v19;
	v19 =	vsel vm0, $0x1, v2  }
0x29a: {  	v17 =	vxor.u32 v10, v17;
	[tilespmem:v14+s20+$0x0] =	vst.idx.msk vm3, v15;
	vm3 =	vlt.s32 v63, $0x200;
	v18 =	vadd.s32 v19, v16  }
0x29b: {  	v17 =	vshrl.u32 v17, $0x16;
	v19 =	vshra.s32 v13, $0x1F;
	[tilespmem:v20+s20+$0x0] =	vst.idx.msk vm2, v25;
	vm2 =	vmand vm3, vm5  }
0x29c: {  	vm1 =	veq.s32 v17, v8;
	v17 =	vshra.s32 v11, $0x1F;
	v15 =	vor.u32 $0x80000000, v19  }
0x29d: {  	v23 =	vshll.u32 v18, $0x5;
	v14 =	vor.u32 $0x80000000, v17;
	v22 =	vsel vm1, $0x1, v2  }
0x29e: {  	v15 =	vxor.u32 v13, v15;
	v17 =	vld [tilespmem:s31+$0x50];
	v23 =	vor.u32 v6, v23;
	v14 =	vxor.u32 v11, v14  }
0x29f: {  	v19 =	vld [tilespmem:s31+$0x30];
	v15 =	vshrl.u32 v15, $0x16;
	v20 =	vadd.s32 v22, v18;
	v14 =	vshrl.u32 v14, $0x16  }
0x2a0: {  	vm3 =	veq.s32 v15, v8;
	v29 =	vshll.u32 v20, $0x5;
	vm6 =	veq.s32 v14, v8  }
0x2a1: {  	v14 =	vsel vm5, $0x1, v2;
	vm5 =	vlt.s32 v20, $0x200;
	v22 =	vsel vm6, $0x1, v2  }
0x2a2: {  	[tilespmem:v21+s20+$0x0] =	vst.idx.msk vm2, v12;
	vm2 =	vmand vm5, vm6;
	v14 =	vadd.s32 v14, v63;
	v15 =	vadd.s32 v22, v20  }
0x2a3: {  	v22 =	vsel vm3, $0x1, v2;
	v24 =	vshra.s32 v17, $0x1F;
	vm7 =	vlt.s32 v15, $0x200  }
0x2a4: {  	v25 =	vadd.s32 v22, v15;
	v22 =	vshra.s32 v19, $0x1F;
	v24 =	vor.u32 $0x80000000, v24  }
0x2a5: {  	v15 =	vshll.u32 v15, $0x5;
	v22 =	vor.u32 $0x80000000, v22;
	vm3 =	vmand vm7, vm3  }
0x2a6: {  	v20 =	vld [tilespmem:s31+$0x70];
	v12 =	vshll.u32 v25, $0x5;
	v21 =	vxor.u32 v17, v24;
	v22 =	vxor.u32 v19, v22  }
0x2a7: {  	v24 =	vor.u32 v6, v12;
	v12 =	vshrl.u32 v21, $0x16;
	v21 =	vshrl.u32 v22, $0x16  }
0x2a8: {  	[tilespmem:v27+s20+$0x0] =	vst.idx.msk vm4, v26;
	vm7 =	vlt.s32 v25, $0x200;
	v26 =	vor.u32 v6, v15;
	vm8 =	veq.s32 v21, v8  }
0x2a9: {  	vm5 =	veq.s32 v12, v8;
	vm6 =	vmand vm7, vm8;
	v21 =	vsel vm8, $0x1, v2  }
0x2aa: {  	v22 =	vor.u32 v6, v29;
	v12 =	vsel vm5, $0x1, v2;
	v21 =	vadd.s32 v21, v25  }
0x2ab: {  	vm7 =	vlt.s32 v16, $0x200;
	v25 =	vadd.s32 v12, v21;
	v12 =	vshra.s32 v20, $0x1F  }
0x2ac: {  	s24 =	simm.s32 $0x0;
	s25 =	simm.s32 $0x4180;
	vm8 =	vlt.s32 v21, $0x200;
	v15 =	vshll.u32 v21, $0x5;
	v12 =	vor.u32 $0x80000000, v12  }
.LBB2_20:
0x2ad: {  	v21 =	vld [tilespmem:s25+$0xFFFFFFA0];
	s24 =	sadd.s32 $0x8, s24;
	vm4 =	vlt.s32 v18, $0x200;
	v18 =	vxor.u32 v20, v12;
	vm10 =	vlt.s32 v25, $0x200  }
0x2ae: {  	v27 =	vor.u32 v6, v15;
	v12 =	vld [tilespmem:s25+$0x60];
	p0 =	slt.u32 s24, $0x1F8;
	vm9 =	vmand vm4, vm1;
	v18 =	vshrl.u32 v18, $0x16  }
0x2af: {  	v16 =	vshll.u32 v16, $0x5;
	v15 =	vld [tilespmem:s25+$0x20];
	[tilespmem:v24+s20+$0x0] =	vst.idx.msk vm6, v19;
	vm6 =	vmand vm8, vm5;
	vm1 =	veq.s32 v18, v8  }
0x2b0: {  	vm5 =	vmand vm7, vm0;
	v19 =	vld [tilespmem:s25+$0x0];
	vm4 =	vmand vm10, vm1;
	v24 =	vsel vm1, $0x1, v2  }
0x2b1: {  	v28 =	vor.u32 v6, v16;
	vm1 =	vlt.s32 v14, $0x200;
	v18 =	vld [tilespmem:s25+$0xFFFFFFE0];
	[tilespmem:v26+s20+$0x0] =	vst.idx.msk vm3, v13;
	v13 =	vshll.u32 v25, $0x5  }
0x2b2: {  	v29 =	vshll.u32 v14, $0x5;
	v26 =	vld [tilespmem:s25+$0xFFFFFF80];
	v16 =	vshra.s32 v21, $0x1F;
	v13 =	vor.u32 v6, v13  }
0x2b3: {  	v30 =	vor.u32 $0x80000000, v16;
	v31 =	vshra.s32 v12, $0x1F;
	[tilespmem:v22+s20+$0x0] =	vst.idx.msk vm2, v11;
	v16 =	vadd.s32 v24, v25  }
0x2b4: {  	v11 =	vxor.u32 v21, v30;
	v22 =	vshra.s32 v15, $0x1F;
	v24 =	vor.u32 $0x80000000, v31;
	[tilespmem:v23+s20+$0x0] =	vst.idx.msk vm9, v10  }
0x2b5: {  	vm0 =	vlt.s32 v16, $0x200;
	v10 =	vld [tilespmem:s25+$0xFFFFFFC0];
	v23 =	vshra.s32 v19, $0x1F;
	v22 =	vor.u32 $0x80000000, v22;
	[tilespmem:v27+s20+$0x0] =	vst.idx.msk vm6, v17  }
0x2b6: {  	v25 =	vor.u32 v0, v29;
	v11 =	vshrl.u32 v11, $0x16;
	v17 =	vor.u32 $0x80000000, v23;
	[tilespmem:v28+s20+$0x0] =	vst.idx.msk vm5, v9  }
0x2b7: {  	vm2 =	veq.s32 v11, v7;
	v9 =	vshra.s32 v26, $0x1F;
	v11 =	vxor.u32 v19, v17;
	[tilespmem:v13+s20+$0x0] =	vst.idx.msk vm4, v20  }
0x2b8: {  	v13 =	vsel vm2, $0x1, v2;
	v17 =	vshra.s32 v18, $0x1F;
	v9 =	vor.u32 $0x80000000, v9  }
0x2b9: {  	v20 =	vxor.u32 v15, v22;
	v17 =	vor.u32 $0x80000000, v17;
	v9 =	vxor.u32 v26, v9  }
0x2ba: {  	v23 =	vxor.u32 v18, v17;
	v9 =	vshrl.u32 v9, $0x16;
	v22 =	vshra.s32 v10, $0x1F;
	v17 =	vld [tilespmem:s25+$0x40]  }
0x2bb: {  	vm3 =	veq.s32 v9, v7;
	v9 =	vor.u32 $0x80000000, v22;
	v22 =	vshrl.u32 v23, $0x16  }
0x2bc: {  	v20 =	vshrl.u32 v20, $0x16;
	v23 =	vsel vm3, $0x1, v2;
	v9 =	vxor.u32 v10, v9  }
0x2bd: {  	v27 =	vshll.u32 v16, $0x5;
	vm4 =	vmand vm1, vm3;
	v9 =	vshrl.u32 v9, $0x16  }
0x2be: {  	v11 =	vshrl.u32 v11, $0x16;
	vm3 =	veq.s32 v22, v7;
	vm1 =	veq.s32 v20, v7  }
0x2bf: {  	v14 =	vadd.s32 v23, v14;
	vm5 =	veq.s32 v9, v7;
	v9 =	vshra.s32 v17, $0x1F  }
0x2c0: {  	v20 =	vshll.u32 v14, $0x5;
	v13 =	vadd.s32 v13, v14;
	v22 =	vsel vm5, $0x1, v2  }
0x2c1: {  	v20 =	vor.u32 v0, v20;
	v22 =	vadd.s32 v22, v13;
	v9 =	vor.u32 $0x80000000, v9  }
0x2c2: {  	vm8 =	veq.s32 v11, v7;
	vm6 =	vlt.s32 v14, $0x200;
	vm7 =	vlt.s32 v22, $0x200  }
0x2c3: {  	v9 =	vxor.u32 v17, v9;
	[tilespmem:v25+s20+$0x0] =	vst.idx.msk vm4, v26;
	vm4 =	vmand vm6, vm2;
	vm6 =	vlt.s32 v13, $0x200  }
0x2c4: {  	v11 =	vshll.u32 v13, $0x5;
	v9 =	vshrl.u32 v9, $0x16;
	v13 =	vsel vm8, $0x1, v2;
	v14 =	vld [tilespmem:s25+$0xFFFFFF90]  }
0x2c5: {  	v23 =	vsel vm3, $0x1, v2;
	v25 =	vsel vm1, $0x1, v2;
	vm2 =	veq.s32 v9, v7  }
0x2c6: {  	vm3 =	vmand vm7, vm3;
	v9 =	vadd.s32 v23, v22;
	vm5 =	vmand vm6, vm5  }
0x2c7: {  	v11 =	vor.u32 v0, v11;
	vm6 =	vlt.s32 v9, $0x200;
	v23 =	vsel vm2, $0x1, v2  }
0x2c8: {  	v24 =	vxor.u32 v12, v24;
	v26 =	vshll.u32 v9, $0x5;
	vm6 =	vmand vm6, vm8  }
0x2c9: {  	v13 =	vadd.s32 v13, v9;
	v28 =	vshra.s32 v14, $0x1F;
	[tilespmem:v20+s20+$0x0] =	vst.idx.msk vm4, v21;
	v20 =	vor.u32 v0, v26  }
0x2ca: {  	v24 =	vshrl.u32 v24, $0x16;
	v22 =	vshll.u32 v22, $0x5;
	v21 =	vor.u32 $0x80000000, v28;
	v9 =	vld [tilespmem:s25+$0xFFFFFFB0]  }
0x2cb: {  	v22 =	vor.u32 v0, v22;
	v25 =	vadd.s32 v25, v13;
	v21 =	vxor.u32 v14, v21  }
0x2cc: {  	vm4 =	vlt.s32 v13, $0x200;
	v21 =	vshrl.u32 v21, $0x16;
	[tilespmem:v11+s20+$0x0] =	vst.idx.msk vm5, v10;
	v11 =	vshll.u32 v13, $0x5  }
0x2cd: {  	vm7 =	vlt.s32 v25, $0x200;
	vm5 =	veq.s32 v21, v8;
	v10 =	vld [tilespmem:s25+$0xFFFFFFD0];
	v21 =	vor.u32 v0, v11  }
0x2ce: {  	v23 =	vadd.s32 v23, v25;
	vm2 =	vmand vm7, vm2;
	v26 =	vsel vm5, $0x1, v2;
	[tilespmem:v20+s20+$0x0] =	vst.idx.msk vm6, v19  }
0x2cf: {  	vm5 =	vmand vm0, vm5;
	v19 =	vshll.u32 v23, $0x5;
	v11 =	vshra.s32 v9, $0x1F  }
0x2d0: {  	vm4 =	vmand vm4, vm1;
	v20 =	vor.u32 v6, v27;
	v11 =	vor.u32 $0x80000000, v11;
	[tilespmem:v22+s20+$0x0] =	vst.idx.msk vm3, v18;
	v13 =	vld [tilespmem:s25+$0x10]  }
0x2d1: {  	vm3 =	veq.s32 v24, v7;
	v22 =	vor.u32 v0, v19;
	v18 =	vxor.u32 v9, v11;
	v11 =	vld [tilespmem:s25+$0xFFFFFFF0]  }
0x2d2: {  	v24 =	vshll.u32 v25, $0x5;
	v18 =	vshrl.u32 v18, $0x16;
	v19 =	vshra.s32 v10, $0x1F  }
0x2d3: {  	v24 =	vor.u32 v0, v24;
	vm0 =	veq.s32 v18, v8;
	v18 =	vor.u32 $0x80000000, v19  }
0x2d4: {  	v16 =	vadd.s32 v26, v16;
	v19 =	vsel vm0, $0x1, v2;
	v25 =	vxor.u32 v10, v18  }
0x2d5: {  	[tilespmem:v20+s20+$0x0] =	vst.idx.msk vm5, v14;
	v18 =	vadd.s32 v19, v16;
	v14 =	vshrl.u32 v25, $0x16;
	v19 =	vshra.s32 v13, $0x1F  }
0x2d6: {  	vm1 =	veq.s32 v14, v8;
	v14 =	vshra.s32 v11, $0x1F;
	[tilespmem:v21+s20+$0x0] =	vst.idx.msk vm4, v15;
	vm4 =	vlt.s32 v23, $0x200  }
0x2d7: {  	v19 =	vor.u32 $0x80000000, v19;
	v15 =	vsel vm1, $0x1, v2;
	v14 =	vor.u32 $0x80000000, v14  }
0x2d8: {  	v21 =	vshll.u32 v18, $0x5;
	v20 =	vxor.u32 v13, v19;
	v14 =	vxor.u32 v11, v14;
	v19 =	vld [tilespmem:s25+$0x30];
	[tilespmem:v24+s20+$0x0] =	vst.idx.msk vm2, v17  }
0x2d9: {  	v20 =	vshrl.u32 v20, $0x16;
	vm2 =	vmand vm4, vm3;
	v14 =	vshrl.u32 v14, $0x16;
	v17 =	vld [tilespmem:s25+$0x50]  }
0x2da: {  	vm4 =	veq.s32 v14, v8;
	v14 =	vsel vm3, $0x1, v2  }
0x2db: {  	v15 =	vadd.s32 v15, v18;
	vm3 =	veq.s32 v20, v8;
	v24 =	vsel vm4, $0x1, v2  }
0x2dc: {  	vm5 =	vlt.s32 v15, $0x200;
	v20 =	vsel vm3, $0x1, v2;
	v25 =	vadd.s32 v24, v15  }
0x2dd: {  	vm6 =	vlt.s32 v25, $0x200;
	v26 =	vadd.s32 v20, v25;
	v20 =	vshra.s32 v19, $0x1F  }
0x2de: {  	v20 =	vor.u32 $0x80000000, v20;
	vm7 =	vlt.s32 v26, $0x200;
	v24 =	vshra.s32 v17, $0x1F  }
0x2df: {  	vm3 =	vmand vm6, vm3;
	v27 =	vxor.u32 v19, v20;
	v20 =	vor.u32 $0x80000000, v24;
	[tilespmem:v22+s20+$0x0] =	vst.idx.msk vm2, v12  }
0x2e0: {  	vm2 =	vmand vm5, vm4;
	v12 =	vshll.u32 v26, $0x5;
	v20 =	vxor.u32 v17, v20  }
0x2e1: {  	v15 =	vshll.u32 v15, $0x5;
	v24 =	vor.u32 v6, v12;
	v12 =	vshrl.u32 v20, $0x16;
	v20 =	vld [tilespmem:s25+$0x70]  }
0x2e2: {  	v28 =	vshll.u32 v25, $0x5;
	v25 =	vshrl.u32 v27, $0x16;
	vm5 =	veq.s32 v12, v8  }
.Ltmp9:
0x2e3: {  	v22 =	vor.u32 v6, v15;
	vm4 =	veq.s32 v25, v8;
	v12 =	vsel vm5, $0x1, v2;
	(pc) =	sbr.rel @p0 .LBB2_20-.Ltmp9, $4  }
0x2e4: {  	v14 =	vadd.s32 v14, v23;
	vm6 =	vmand vm7, vm4;
	v15 =	vsel vm4, $0x1, v2  }
0x2e5: {  	v23 =	vor.u32 v6, v21;
	vm7 =	vlt.s32 v16, $0x200;
	v15 =	vadd.s32 v15, v26  }
0x2e6: {  	vm8 =	vlt.s32 v15, $0x200;
	v25 =	vadd.s32 v12, v15;
	v12 =	vshra.s32 v20, $0x1F  }
0x2e7: {  	s25 =	sadd.s32 $0x100, s25;
	v26 =	vor.u32 v6, v28;
	v15 =	vshll.u32 v15, $0x5;
	v12 =	vor.u32 $0x80000000, v12  }
0x2e8: {  	_ = 	snop  }
0x2e9: {  	vm4 =	vlt.s32 v18, $0x200  }
0x2ea: {  	v12 =	vxor.u32 v20, v12;
	vm9 =	vlt.s32 v25, $0x200;
	vm13 =	vmand vm8, vm5  }
0x2eb: {  	v15 =	vor.u32 v6, v15;
	vm1 =	vmand vm4, vm1;
	v12 =	vshrl.u32 v12, $0x16  }
0x2ec: {  	v16 =	vshll.u32 v16, $0x5;
	vm0 =	vmand vm7, vm0;
	vm14 =	veq.s32 v12, v8  }
0x2ed: {  	[tilespmem:v24+s20+$0x0] =	vst.idx.msk vm6, v19;
	s23 =	sadd.s32 $0x1, s23;
	v12 =	vor.u32 v6, v16;
	v16 =	vshll.u32 v25, $0x5;
	vm15 =	vmand vm9, vm14  }
0x2ee: {  	[tilespmem:v26+s20+$0x0] =	vst.idx.msk vm3, v13;
	p0 =	sne.s32 s23, $0x20;
	v13 =	vor.u32 v6, v16  }
.Ltmp10:
0x2ef: {  	[tilespmem:v22+s20+$0x0] =	vst.idx.msk vm2, v11;
	(pc) =	sbr.rel @p0 .LBB2_17-.Ltmp10, $4  }
0x2f0: {  	[tilespmem:v15+s20+$0x0] =	vst.idx.msk vm13, v17  }
0x2f1: {  	[tilespmem:v23+s20+$0x0] =	vst.idx.msk vm1, v10  }
0x2f2: {  	v10 =	vsel vm14, $0x1, v2;
	[tilespmem:v12+s20+$0x0] =	vst.idx.msk vm0, v9  }
0x2f3: {  	v15 =	vadd.s32 v10, v25;
	[tilespmem:v13+s20+$0x0] =	vst.idx.msk vm15, v20  }
0x2f4: {  	[hbm4b:s6+s11] =	stream.strided.scatter [tilespmem:s20], [sflag:$0x3], $0x4000, s12, s11, $0x38;
	[tilespmem:$0x14090] =	vst v63  }
0x2f5: {  	_ =	swait.ge [sflag:s21], $0x4000  }
0x2f6: {  	[sflag:s21] =	ssyncset.done $0x0  }
0x2f7: {  	[sflag:s21] =	ssyncadd.s32 $0xFFFFC000  }
0x2f8: {  	[hbm4b:s7+s3] =	stream.linear.scatter [tilespmem:s18], [sflag:$0x3], $0x20, $0x38;
	[tilespmem:$0x14090] =	vst v63  }
0x2f9: {  	s22 =	sadd.s32 $0x1, s22;
	_ =	swait.ge [sflag:s21], $0x20  }
0x2fa: {  	p0 =	sne.s32 s22, s10;
	[sflag:s21] =	ssyncset.done $0x0  }
.Ltmp11:
0x2fb: {  	[sflag:s21] =	ssyncadd.s32 $0xFFFFFFE0;
	(pc) =	sbr.rel @p0 .LBB2_2-.Ltmp11, $4  }
0x2fc: {  	[hbm4b:s8+s3] =	stream.linear.scatter [tilespmem:s19], [sflag:$0x3], $0x20, $0x38;
	[tilespmem:$0x14090] =	vst v63  }
0x2fd: {  	_ =	swait.ge [sflag:s21], $0x20  }
0x2fe: {  	[sflag:s21] =	ssyncset.done $0x0  }
0x2ff: {  	[sflag:s21] =	ssyncadd.s32 $0xFFFFFFE0  }
.LBB2_23:
0x300: {  	_ =	sfence.sel $0x180000  }
0x301: {  	[bflag:$0x0] =	sbarrier.arrive $0xFFFF  }
0x302: {  	p0 =	sne.s32 s1, $0x0;
	_ =	strace $0x90000047  }
0x303: {  	s0 =	sadd.s32 @!p0 $0x100000, s0;
	[bflag:$0x2] =	sbarrier.arrive $0xFFFF  }
0x304: {  	[sflag:s0] =	ssyncadd.tile.s32 @!p0 $0x1;
	_ =	shalt  }
.Lfunc_end2:
_tile_overlayer_lowered:
.L_overlay_start_2:
0x305: {  	(tag) =	ssettag $0x2  }
0x306: {  	s0 =	rddreg [dreg:$0x0];
	s2 =	stileid.u32  }
0x307: {  	s1 =	rddreg [dreg:$0x1];
	p0 =	sne.s32 s2, $0x0  }
0x308: {  	s3 =	rddreg [dreg:$0x2];
	[bflag:$0x3] =	sbarrier.arrive $0xFFFF;
	s2 =	simm.s32 @!p0 $0x1C03  }
0x309: {  	[timem:s3], [sflag:s2] =	dma.local @!p0 [hbm:s0], s1  }
0x30a: {  	s0 =	simm.s32 @!p0 $0x3  }
0x30b: {  	_ =	swait.ge @!p0 [sflag:s0], s1  }
0x30c: {  	s1 =	ssub.s32 @!p0 $0x0, s1;
	[sflag:s0] =	ssyncset.done @!p0 $0x0  }
0x30d: {  	[sflag:s0] =	ssyncadd.s32 @!p0 s1  }
0x30e: {  	[bflag:$0x3] =	sbarrier.arrive $0xFFFF  }
0x30f: {  	_ =	shalt  }

</sc_bundles>
